<compile_context>
chip_gen: v7x
topology: tpu7x:2x2x1
jax: 0.10.2.dev20260603
libtpu: 0.0.44.dev20260713+nightly
codegen_flags: <defaults>
</compile_context>

<pallas_src>
import functools

import jax
import jax.numpy as jnp
from jax import lax
from jax.experimental import pallas as pl
from jax.experimental.pallas import tpu as pltpu
from jax.experimental.pallas import tpu_sc as plsc

DIM = 128
BATCH = 4096
N_TREES = 200
LANES = 16
NCHUNK = 2
CHUNK = N_TREES // NCHUNK
NWORKERS = 32
ROWS_PER_W = BATCH // NWORKERS
DREGS = DIM // LANES


def _sc_gather_max(x3, table):
  mesh = plsc.VectorSubcoreMesh(core_axis_name="c", subcore_axis_name="s")

  @functools.partial(
      pl.kernel,
      out_type=jax.ShapeDtypeStruct((BATCH, DIM), jnp.float32),
      mesh=mesh,
      scratch_types=[
          pltpu.VMEM((ROWS_PER_W, NCHUNK, CHUNK), jnp.int32),
          pltpu.VMEM((3, N_TREES, DIM), jnp.float32),
          pltpu.VMEM((ROWS_PER_W, DIM), jnp.float32),
          pltpu.SemaphoreType.DMA,
          pltpu.SemaphoreType.DMA,
          pltpu.SemaphoreType.DMA,
      ],
  )
  def body(x_hbm, table_hbm, out_hbm, idx_v, rows_v, out_v, sem0, sem1, sem2):
    wid = lax.axis_index("s") * 2 + lax.axis_index("c")
    base = wid * ROWS_PER_W
    pltpu.sync_copy(x_hbm.at[pl.ds(base, ROWS_PER_W)], idx_v)
    sems = (sem0, sem1, sem2)

    def issue(row, buf):
      for j in range(NCHUNK):
        pltpu.async_copy(
            table_hbm.at[idx_v.at[row, j]],
            rows_v.at[buf, pl.ds(j * CHUNK, CHUNK)],
            sems[buf])

    def wait(buf):
      for j in range(NCHUNK):
        pltpu.make_async_copy(
            table_hbm.at[idx_v.at[0, j]],
            rows_v.at[buf, pl.ds(j * CHUNK, CHUNK)],
            sems[buf]).wait()

    def reduce(row, buf):
      def rbody(t, acc):
        return tuple(
            jnp.maximum(acc[d], rows_v[buf, t, pl.ds(d * LANES, LANES)])
            for d in range(DREGS))
      acc0 = tuple(
          jnp.full((LANES,), -jnp.inf, jnp.float32) for _ in range(DREGS))
      acc = lax.fori_loop(0, N_TREES, rbody, acc0)
      for d in range(DREGS):
        out_v[row, pl.ds(d * LANES, LANES)] = acc[d]

    issue(0, 0)
    issue(1, 1)
    issue(2, 2)

    def loop_body(r, carry):
      r0 = 3 * r
      for k in range(3):
        wait(k)
        reduce(r0 + k, k)
        issue(lax.rem(r0 + k + 3, ROWS_PER_W), k)
      return carry

    lax.fori_loop(0, (ROWS_PER_W - 2) // 3, loop_body, 0)
    wait(0)
    reduce(ROWS_PER_W - 2, 0)
    wait(1)
    reduce(ROWS_PER_W - 1, 1)
    wait(2)
    pltpu.sync_copy(out_v, out_hbm.at[pl.ds(base, ROWS_PER_W)])

  return body(x3, table)


def _tc_mlp(setv, w_h, b_h, w_cat, b_cat):
  def body(s_ref, wh_ref, bh_ref, wo_ref, bo_ref, cls_ref, reg_ref):
    h = jnp.dot(s_ref[...], wh_ref[...], preferred_element_type=jnp.float32)
    h = h + bh_ref[...]
    h = jnp.where(h >= 0, h, 0.01 * h)
    o = jnp.dot(h, wo_ref[...], preferred_element_type=jnp.float32)
    o = o + bo_ref[...]
    cls_ref[...] = jax.nn.sigmoid(o[:, 0:1])
    reg_ref[...] = o[:, 1:2]

  return pl.pallas_call(
      body,
      out_shape=(jax.ShapeDtypeStruct((BATCH, 1), jnp.float32),
                 jax.ShapeDtypeStruct((BATCH, 1), jnp.float32)),
  )(setv, w_h, b_h, w_cat, b_cat)


def kernel(x, table, W_h, b_h, W_cls, b_cls, W_reg, b_reg):
  x3 = x.astype(jnp.int32).reshape(BATCH, NCHUNK, CHUNK)
  setv = _sc_gather_max(x3, table)
  w_cat = jnp.concatenate([W_cls, W_reg], axis=1)
  b_cat = jnp.concatenate([b_cls, b_reg]).reshape(1, 2)
  cls, reg = _tc_mlp(setv, W_h, b_h.reshape(1, DIM), w_cat, b_cat)
  return (cls, reg)

# --- scband reference (transcript-rebuilt; emitter-appended) ---
"""Pipeline reference for scband-multi-tree-embedding-classifier-66735201845440 (READ-ONLY COPY).

The authoritative reference and input builder live on the scoring server;
editing this copy changes nothing except your own understanding.
"""

import jax, jax.numpy as jnp
import numpy as np

MAX_LEAF = 100000
DIM = 128
BATCH = 4096
N_TREES = 200


def setup_inputs(seed: int = 0) -> dict:
    key = jax.random.key(seed)
    k1, k2, k3, k4, k5, k6, k7, k8 = jax.random.split(key, 8)
    x = jax.random.randint(k1, (BATCH, N_TREES), 0, MAX_LEAF, dtype=jnp.int64 if jax.config.jax_enable_x64 else jnp.int32)
    table = jax.random.normal(k2, (MAX_LEAF, DIM), dtype=jnp.float32)
    W_h = jax.random.normal(k3, (DIM, DIM), dtype=jnp.float32) * (1.0 / np.sqrt(DIM))
    b_h = jnp.zeros((DIM,), dtype=jnp.float32)
    W_cls = jax.random.normal(k4, (DIM, 1), dtype=jnp.float32) * (1.0 / np.sqrt(DIM))
    b_cls = jnp.zeros((1,), dtype=jnp.float32)
    W_reg = jax.random.normal(k5, (DIM, 1), dtype=jnp.float32) * (1.0 / np.sqrt(DIM))
    b_reg = jnp.zeros((1,), dtype=jnp.float32)
    return {"x": x, "table": table, "W_h": W_h, "b_h": b_h, "W_cls": W_cls, "b_cls": b_cls, "W_reg": W_reg, "b_reg": b_reg}


def reference(x, table, W_h, b_h, W_cls, b_cls, W_reg, b_reg):
    # embedding lookup: [B, L, d]
    leaf_vectors = jnp.take(table, x, axis=0)
    # forest max pooling over trees dim
    set_vector = jnp.max(leaf_vectors, axis=1)
    # hidden linear + leaky relu (default negative_slope=0.01)
    hidden = set_vector @ W_h + b_h
    hidden = jnp.where(hidden >= 0, hidden, 0.01 * hidden)
    classification_output = jax.nn.sigmoid(hidden @ W_cls + b_cls)
    regression_output = hidden @ W_reg + b_reg
    return (classification_output, regression_output)

if __name__ == "__main__":
    import jax
    _d = setup_inputs()
    print(jax.jit(kernel)(*tuple(_d.values())))

</pallas_src>

<mosaic_0001>
#map = affine_map<(d0, d1) -> (0, 0, 0)>
#map1 = affine_map<(d0, d1) -> (0, 0)>
module attributes {stable_mosaic.version = 14 : i64} {
  func.func @body(%arg0: i32, %arg1: i32, %arg2: memref<4096x2x100xi32, #tpu.memory_space<hbm>>, %arg3: memref<100000x128xf32, #tpu.memory_space<hbm>>, %arg4: memref<4096x128xf32, #tpu.memory_space<hbm>>, %arg5: memref<128x2x100xi32, #tpu.memory_space<vmem>>, %arg6: memref<3x200x128xf32, #tpu.memory_space<vmem>>, %arg7: memref<128x128xf32, #tpu.memory_space<vmem>>, %arg8: memref<!tpu.dma_semaphore, #tpu.memory_space<semaphore_mem>>, %arg9: memref<!tpu.dma_semaphore, #tpu.memory_space<semaphore_mem>>, %arg10: memref<!tpu.dma_semaphore, #tpu.memory_space<semaphore_mem>>) attributes {dimension_semantics = [#tpu.dimension_semantics<core_parallel>, #tpu.dimension_semantics<subcore_parallel>], iteration_bounds = array<i64: 2, 16>, scalar_prefetch = 0 : i64, scratch_operands = 6 : i64, tpu.core_type = #tpu.core_type<sc_vector_subcore>, window_params = [{transform_indices = #map}, {transform_indices = #map1}, {transform_indices = #map1}]} {
    %mul3A = arith.constant 2 : i32
    %mul3A_0 = arith.muli %arg1, %mul3A : i32
    %add3A = arith.addi %mul3A_0, %arg0 : i32
    %mul3A_1 = arith.constant 128 : i32
    %mul3A_2 = arith.muli %add3A, %mul3A_1 : i32
    "tpu.region"() ({
      %run_scoped3A = tpu.sem_alloc : memref<!tpu.dma_semaphore, #tpu.memory_space<semaphore_mem>>
      %dma_start3A_300 = arith.constant 0 : i32
      %dma_start3A_301 = arith.constant 0 : i32
      %dma_start3A_302 = tpu.memref_slice %arg2[%mul3A_2, %dma_start3A_300, %dma_start3A_301] : memref<4096x2x100xi32, #tpu.memory_space<hbm>> -> memref<128x2x100xi32, #tpu.memory_space<hbm>>
      %dma_start3A_303 = arith.constant 0 : i32
      %dma_start3A_304 = arith.constant 0 : i32
      %dma_start3A_305 = tpu.memref_slice %arg2[%mul3A_2, %dma_start3A_303, %dma_start3A_304] : memref<4096x2x100xi32, #tpu.memory_space<hbm>> -> memref<128x2x100xi32, #tpu.memory_space<hbm>>
      tpu.enqueue_dma source(%dma_start3A_305 : memref<128x2x100xi32, #tpu.memory_space<hbm>>) target(%arg5 : memref<128x2x100xi32, #tpu.memory_space<vmem>>) target_semaphore(%run_scoped3A : memref<!tpu.dma_semaphore, #tpu.memory_space<semaphore_mem>>)
      %dma_wait3A_306 = arith.constant 0 : i32
      %dma_wait3A_307 = arith.constant 0 : i32
      %dma_wait3A_308 = tpu.memref_slice %arg2[%mul3A_2, %dma_wait3A_306, %dma_wait3A_307] : memref<4096x2x100xi32, #tpu.memory_space<hbm>> -> memref<128x2x100xi32, #tpu.memory_space<hbm>>
      %dma_wait3A_309 = arith.constant 0 : i32
      %dma_wait3A_310 = arith.constant 0 : i32
      %dma_wait3A_311 = tpu.memref_slice %arg2[%mul3A_2, %dma_wait3A_309, %dma_wait3A_310] : memref<4096x2x100xi32, #tpu.memory_space<hbm>> -> memref<128x2x100xi32, #tpu.memory_space<hbm>>
      tpu.wait_dma2 semaphore(%run_scoped3A : memref<!tpu.dma_semaphore, #tpu.memory_space<semaphore_mem>>) src(%dma_wait3A_311 : memref<128x2x100xi32, #tpu.memory_space<hbm>>) dst(%arg5 : memref<128x2x100xi32, #tpu.memory_space<vmem>>)
      tpu.yield
    }) : () -> ()
    %dma_start3A = arith.constant 0 : i32
    %dma_start3A_3 = arith.constant 0 : i32
    %dma_start3A_4 = arith.constant 0 : i32
    %dma_start3A_5 = arith.constant 0 : i32
    %dma_start3A_6 = arith.constant 0 : i32
    %dma_start3A_7 = tpu.memref_slice %arg6[%dma_start3A_4, %dma_start3A_5, %dma_start3A_6] : memref<3x200x128xf32, #tpu.memory_space<vmem>> -> memref<1x100x128xf32, #tpu.memory_space<vmem>>
    %dma_start3A_8 = tpu.memref_squeeze %dma_start3A_7 : memref<1x100x128xf32, #tpu.memory_space<vmem>> -> memref<100x128xf32, #tpu.memory_space<vmem>>
    %dma_start3A_9 = arith.constant 0 : i32
    %dma_start3A_10 = tpu.memref_slice %arg5[%dma_start3A, %dma_start3A_3, %dma_start3A_9] : memref<128x2x100xi32, #tpu.memory_space<vmem>> -> memref<1x1x100xi32, #tpu.memory_space<vmem>>
    %dma_start3A_11 = tpu.memref_squeeze %dma_start3A_10 : memref<1x1x100xi32, #tpu.memory_space<vmem>> -> memref<100xi32, #tpu.memory_space<vmem>>
    %dma_start3A_12 = arith.constant 0 : i32
    %dma_start3A_13 = arith.constant 0 : i32
    %dma_start3A_14 = tpu.memref_slice %arg3[%dma_start3A_12, %dma_start3A_13] : memref<100000x128xf32, #tpu.memory_space<hbm>> -> memref<100000x128xf32, #tpu.memory_space<hbm>>
    tpu.enqueue_indirect_dma source(%dma_start3A_14 : memref<100000x128xf32, #tpu.memory_space<hbm>>) target(%dma_start3A_8 : memref<100x128xf32, #tpu.memory_space<vmem>>) offsets(%dma_start3A_11 : memref<100xi32, #tpu.memory_space<vmem>>) semaphore(%arg8 : memref<!tpu.dma_semaphore, #tpu.memory_space<semaphore_mem>>)
    %dma_start3A_15 = arith.constant 0 : i32
    %dma_start3A_16 = arith.constant 1 : i32
    %dma_start3A_17 = arith.constant 0 : i32
    %dma_start3A_18 = arith.constant 100 : i32
    %dma_start3A_19 = arith.constant 0 : i32
    %dma_start3A_20 = tpu.memref_slice %arg6[%dma_start3A_17, %dma_start3A_18, %dma_start3A_19] : memref<3x200x128xf32, #tpu.memory_space<vmem>> -> memref<1x100x128xf32, #tpu.memory_space<vmem>>
    %dma_start3A_21 = tpu.memref_squeeze %dma_start3A_20 : memref<1x100x128xf32, #tpu.memory_space<vmem>> -> memref<100x128xf32, #tpu.memory_space<vmem>>
    %dma_start3A_22 = arith.constant 0 : i32
    %dma_start3A_23 = tpu.memref_slice %arg5[%dma_start3A_15, %dma_start3A_16, %dma_start3A_22] : memref<128x2x100xi32, #tpu.memory_space<vmem>> -> memref<1x1x100xi32, #tpu.memory_space<vmem>>
    %dma_start3A_24 = tpu.memref_squeeze %dma_start3A_23 : memref<1x1x100xi32, #tpu.memory_space<vmem>> -> memref<100xi32, #tpu.memory_space<vmem>>
    %dma_start3A_25 = arith.constant 0 : i32
    %dma_start3A_26 = arith.constant 0 : i32
    %dma_start3A_27 = tpu.memref_slice %arg3[%dma_start3A_25, %dma_start3A_26] : memref<100000x128xf32, #tpu.memory_space<hbm>> -> memref<100000x128xf32, #tpu.memory_space<hbm>>
    tpu.enqueue_indirect_dma source(%dma_start3A_27 : memref<100000x128xf32, #tpu.memory_space<hbm>>) target(%dma_start3A_21 : memref<100x128xf32, #tpu.memory_space<vmem>>) offsets(%dma_start3A_24 : memref<100xi32, #tpu.memory_space<vmem>>) semaphore(%arg8 : memref<!tpu.dma_semaphore, #tpu.memory_space<semaphore_mem>>)
    %dma_start3A_28 = arith.constant 1 : i32
    %dma_start3A_29 = arith.constant 0 : i32
    %dma_start3A_30 = arith.constant 1 : i32
    %dma_start3A_31 = arith.constant 0 : i32
    %dma_start3A_32 = arith.constant 0 : i32
    %dma_start3A_33 = tpu.memref_slice %arg6[%dma_start3A_30, %dma_start3A_31, %dma_start3A_32] : memref<3x200x128xf32, #tpu.memory_space<vmem>> -> memref<1x100x128xf32, #tpu.memory_space<vmem>>
    %dma_start3A_34 = tpu.memref_squeeze %dma_start3A_33 : memref<1x100x128xf32, #tpu.memory_space<vmem>> -> memref<100x128xf32, #tpu.memory_space<vmem>>
    %dma_start3A_35 = arith.constant 0 : i32
    %dma_start3A_36 = tpu.memref_slice %arg5[%dma_start3A_28, %dma_start3A_29, %dma_start3A_35] : memref<128x2x100xi32, #tpu.memory_space<vmem>> -> memref<1x1x100xi32, #tpu.memory_space<vmem>>
    %dma_start3A_37 = tpu.memref_squeeze %dma_start3A_36 : memref<1x1x100xi32, #tpu.memory_space<vmem>> -> memref<100xi32, #tpu.memory_space<vmem>>
    %dma_start3A_38 = arith.constant 0 : i32
    %dma_start3A_39 = arith.constant 0 : i32
    %dma_start3A_40 = tpu.memref_slice %arg3[%dma_start3A_38, %dma_start3A_39] : memref<100000x128xf32, #tpu.memory_space<hbm>> -> memref<100000x128xf32, #tpu.memory_space<hbm>>
    tpu.enqueue_indirect_dma source(%dma_start3A_40 : memref<100000x128xf32, #tpu.memory_space<hbm>>) target(%dma_start3A_34 : memref<100x128xf32, #tpu.memory_space<vmem>>) offsets(%dma_start3A_37 : memref<100xi32, #tpu.memory_space<vmem>>) semaphore(%arg9 : memref<!tpu.dma_semaphore, #tpu.memory_space<semaphore_mem>>)
    %dma_start3A_41 = arith.constant 1 : i32
    %dma_start3A_42 = arith.constant 1 : i32
    %dma_start3A_43 = arith.constant 1 : i32
    %dma_start3A_44 = arith.constant 100 : i32
    %dma_start3A_45 = arith.constant 0 : i32
    %dma_start3A_46 = tpu.memref_slice %arg6[%dma_start3A_43, %dma_start3A_44, %dma_start3A_45] : memref<3x200x128xf32, #tpu.memory_space<vmem>> -> memref<1x100x128xf32, #tpu.memory_space<vmem>>
    %dma_start3A_47 = tpu.memref_squeeze %dma_start3A_46 : memref<1x100x128xf32, #tpu.memory_space<vmem>> -> memref<100x128xf32, #tpu.memory_space<vmem>>
    %dma_start3A_48 = arith.constant 0 : i32
    %dma_start3A_49 = tpu.memref_slice %arg5[%dma_start3A_41, %dma_start3A_42, %dma_start3A_48] : memref<128x2x100xi32, #tpu.memory_space<vmem>> -> memref<1x1x100xi32, #tpu.memory_space<vmem>>
    %dma_start3A_50 = tpu.memref_squeeze %dma_start3A_49 : memref<1x1x100xi32, #tpu.memory_space<vmem>> -> memref<100xi32, #tpu.memory_space<vmem>>
    %dma_start3A_51 = arith.constant 0 : i32
    %dma_start3A_52 = arith.constant 0 : i32
    %dma_start3A_53 = tpu.memref_slice %arg3[%dma_start3A_51, %dma_start3A_52] : memref<100000x128xf32, #tpu.memory_space<hbm>> -> memref<100000x128xf32, #tpu.memory_space<hbm>>
    tpu.enqueue_indirect_dma source(%dma_start3A_53 : memref<100000x128xf32, #tpu.memory_space<hbm>>) target(%dma_start3A_47 : memref<100x128xf32, #tpu.memory_space<vmem>>) offsets(%dma_start3A_50 : memref<100xi32, #tpu.memory_space<vmem>>) semaphore(%arg9 : memref<!tpu.dma_semaphore, #tpu.memory_space<semaphore_mem>>)
    %dma_start3A_54 = arith.constant 2 : i32
    %dma_start3A_55 = arith.constant 0 : i32
    %dma_start3A_56 = arith.constant 2 : i32
    %dma_start3A_57 = arith.constant 0 : i32
    %dma_start3A_58 = arith.constant 0 : i32
    %dma_start3A_59 = tpu.memref_slice %arg6[%dma_start3A_56, %dma_start3A_57, %dma_start3A_58] : memref<3x200x128xf32, #tpu.memory_space<vmem>> -> memref<1x100x128xf32, #tpu.memory_space<vmem>>
    %dma_start3A_60 = tpu.memref_squeeze %dma_start3A_59 : memref<1x100x128xf32, #tpu.memory_space<vmem>> -> memref<100x128xf32, #tpu.memory_space<vmem>>
    %dma_start3A_61 = arith.constant 0 : i32
    %dma_start3A_62 = tpu.memref_slice %arg5[%dma_start3A_54, %dma_start3A_55, %dma_start3A_61] : memref<128x2x100xi32, #tpu.memory_space<vmem>> -> memref<1x1x100xi32, #tpu.memory_space<vmem>>
    %dma_start3A_63 = tpu.memref_squeeze %dma_start3A_62 : memref<1x1x100xi32, #tpu.memory_space<vmem>> -> memref<100xi32, #tpu.memory_space<vmem>>
    %dma_start3A_64 = arith.constant 0 : i32
    %dma_start3A_65 = arith.constant 0 : i32
    %dma_start3A_66 = tpu.memref_slice %arg3[%dma_start3A_64, %dma_start3A_65] : memref<100000x128xf32, #tpu.memory_space<hbm>> -> memref<100000x128xf32, #tpu.memory_space<hbm>>
    tpu.enqueue_indirect_dma source(%dma_start3A_66 : memref<100000x128xf32, #tpu.memory_space<hbm>>) target(%dma_start3A_60 : memref<100x128xf32, #tpu.memory_space<vmem>>) offsets(%dma_start3A_63 : memref<100xi32, #tpu.memory_space<vmem>>) semaphore(%arg10 : memref<!tpu.dma_semaphore, #tpu.memory_space<semaphore_mem>>)
    %dma_start3A_67 = arith.constant 2 : i32
    %dma_start3A_68 = arith.constant 1 : i32
    %dma_start3A_69 = arith.constant 2 : i32
    %dma_start3A_70 = arith.constant 100 : i32
    %dma_start3A_71 = arith.constant 0 : i32
    %dma_start3A_72 = tpu.memref_slice %arg6[%dma_start3A_69, %dma_start3A_70, %dma_start3A_71] : memref<3x200x128xf32, #tpu.memory_space<vmem>> -> memref<1x100x128xf32, #tpu.memory_space<vmem>>
    %dma_start3A_73 = tpu.memref_squeeze %dma_start3A_72 : memref<1x100x128xf32, #tpu.memory_space<vmem>> -> memref<100x128xf32, #tpu.memory_space<vmem>>
    %dma_start3A_74 = arith.constant 0 : i32
    %dma_start3A_75 = tpu.memref_slice %arg5[%dma_start3A_67, %dma_start3A_68, %dma_start3A_74] : memref<128x2x100xi32, #tpu.memory_space<vmem>> -> memref<1x1x100xi32, #tpu.memory_space<vmem>>
    %dma_start3A_76 = tpu.memref_squeeze %dma_start3A_75 : memref<1x1x100xi32, #tpu.memory_space<vmem>> -> memref<100xi32, #tpu.memory_space<vmem>>
    %dma_start3A_77 = arith.constant 0 : i32
    %dma_start3A_78 = arith.constant 0 : i32
    %dma_start3A_79 = tpu.memref_slice %arg3[%dma_start3A_77, %dma_start3A_78] : memref<100000x128xf32, #tpu.memory_space<hbm>> -> memref<100000x128xf32, #tpu.memory_space<hbm>>
    tpu.enqueue_indirect_dma source(%dma_start3A_79 : memref<100000x128xf32, #tpu.memory_space<hbm>>) target(%dma_start3A_73 : memref<100x128xf32, #tpu.memory_space<vmem>>) offsets(%dma_start3A_76 : memref<100xi32, #tpu.memory_space<vmem>>) semaphore(%arg10 : memref<!tpu.dma_semaphore, #tpu.memory_space<semaphore_mem>>)
    %scan3A = arith.constant 0 : i32
    %scan3A_80 = arith.constant 0 : i32
    %scan3A_81 = arith.constant 42 : i32
    %scan3A_82 = arith.addi %scan3A_80, %scan3A_81 : i32
    %scan3A_83 = arith.constant 1 : i32
    scf.for %scan3A_300 = %scan3A_80 to %scan3A_82 step %scan3A_83  : i32 {
      %mul3A_301 = arith.constant 3 : i32
      %mul3A_302 = arith.muli %mul3A_301, %scan3A_300 : i32
      %dma_wait3A_303 = arith.constant 0 : i32
      %dma_wait3A_304 = arith.constant 0 : i32
      %dma_wait3A_305 = arith.constant 0 : i32
      %dma_wait3A_306 = arith.constant 0 : i32
      %dma_wait3A_307 = arith.constant 0 : i32
      %dma_wait3A_308 = tpu.memref_slice %arg6[%dma_wait3A_305, %dma_wait3A_306, %dma_wait3A_307] : memref<3x200x128xf32, #tpu.memory_space<vmem>> -> memref<1x100x128xf32, #tpu.memory_space<vmem>>
      %dma_wait3A_309 = tpu.memref_squeeze %dma_wait3A_308 : memref<1x100x128xf32, #tpu.memory_space<vmem>> -> memref<100x128xf32, #tpu.memory_space<vmem>>
      %dma_wait3A_310 = arith.constant 0 : i32
      %dma_wait3A_311 = tpu.memref_slice %arg5[%dma_wait3A_303, %dma_wait3A_304, %dma_wait3A_310] : memref<128x2x100xi32, #tpu.memory_space<vmem>> -> memref<1x1x100xi32, #tpu.memory_space<vmem>>
      %dma_wait3A_312 = tpu.memref_squeeze %dma_wait3A_311 : memref<1x1x100xi32, #tpu.memory_space<vmem>> -> memref<100xi32, #tpu.memory_space<vmem>>
      %dma_wait3A_313 = arith.constant 0 : i32
      %dma_wait3A_314 = arith.constant 0 : i32
      %dma_wait3A_315 = tpu.memref_slice %arg3[%dma_wait3A_313, %dma_wait3A_314] : memref<100000x128xf32, #tpu.memory_space<hbm>> -> memref<100000x128xf32, #tpu.memory_space<hbm>>
      tpu.wait_indirect_dma semaphore(%arg8 : memref<!tpu.dma_semaphore, #tpu.memory_space<semaphore_mem>>) src(%dma_wait3A_315 : memref<100000x128xf32, #tpu.memory_space<hbm>>) dst(%dma_wait3A_309 : memref<100x128xf32, #tpu.memory_space<vmem>>)
      %dma_wait3A_316 = arith.constant 0 : i32
      %dma_wait3A_317 = arith.constant 1 : i32
      %dma_wait3A_318 = arith.constant 0 : i32
      %dma_wait3A_319 = arith.constant 100 : i32
      %dma_wait3A_320 = arith.constant 0 : i32
      %dma_wait3A_321 = tpu.memref_slice %arg6[%dma_wait3A_318, %dma_wait3A_319, %dma_wait3A_320] : memref<3x200x128xf32, #tpu.memory_space<vmem>> -> memref<1x100x128xf32, #tpu.memory_space<vmem>>
      %dma_wait3A_322 = tpu.memref_squeeze %dma_wait3A_321 : memref<1x100x128xf32, #tpu.memory_space<vmem>> -> memref<100x128xf32, #tpu.memory_space<vmem>>
      %dma_wait3A_323 = arith.constant 0 : i32
      %dma_wait3A_324 = tpu.memref_slice %arg5[%dma_wait3A_316, %dma_wait3A_317, %dma_wait3A_323] : memref<128x2x100xi32, #tpu.memory_space<vmem>> -> memref<1x1x100xi32, #tpu.memory_space<vmem>>
      %dma_wait3A_325 = tpu.memref_squeeze %dma_wait3A_324 : memref<1x1x100xi32, #tpu.memory_space<vmem>> -> memref<100xi32, #tpu.memory_space<vmem>>
      %dma_wait3A_326 = arith.constant 0 : i32
      %dma_wait3A_327 = arith.constant 0 : i32
      %dma_wait3A_328 = tpu.memref_slice %arg3[%dma_wait3A_326, %dma_wait3A_327] : memref<100000x128xf32, #tpu.memory_space<hbm>> -> memref<100000x128xf32, #tpu.memory_space<hbm>>
      tpu.wait_indirect_dma semaphore(%arg8 : memref<!tpu.dma_semaphore, #tpu.memory_space<semaphore_mem>>) src(%dma_wait3A_328 : memref<100000x128xf32, #tpu.memory_space<hbm>>) dst(%dma_wait3A_322 : memref<100x128xf32, #tpu.memory_space<vmem>>)
      %add3A_329 = arith.constant 0 : i32
      %add3A_330 = arith.addi %mul3A_302, %add3A_329 : i32
      %broadcast_in_dim3A_331 = arith.constant 0xFF800000 : f32
      %broadcast_in_dim3A_332 = vector.broadcast %broadcast_in_dim3A_331 : f32 to vector<16xf32>
      %broadcast_in_dim3A_333 = arith.constant 0xFF800000 : f32
      %broadcast_in_dim3A_334 = vector.broadcast %broadcast_in_dim3A_333 : f32 to vector<16xf32>
      %broadcast_in_dim3A_335 = arith.constant 0xFF800000 : f32
      %broadcast_in_dim3A_336 = vector.broadcast %broadcast_in_dim3A_335 : f32 to vector<16xf32>
      %broadcast_in_dim3A_337 = arith.constant 0xFF800000 : f32
      %broadcast_in_dim3A_338 = vector.broadcast %broadcast_in_dim3A_337 : f32 to vector<16xf32>
      %broadcast_in_dim3A_339 = arith.constant 0xFF800000 : f32
      %broadcast_in_dim3A_340 = vector.broadcast %broadcast_in_dim3A_339 : f32 to vector<16xf32>
      %broadcast_in_dim3A_341 = arith.constant 0xFF800000 : f32
      %broadcast_in_dim3A_342 = vector.broadcast %broadcast_in_dim3A_341 : f32 to vector<16xf32>
      %broadcast_in_dim3A_343 = arith.constant 0xFF800000 : f32
      %broadcast_in_dim3A_344 = vector.broadcast %broadcast_in_dim3A_343 : f32 to vector<16xf32>
      %broadcast_in_dim3A_345 = arith.constant 0xFF800000 : f32
      %broadcast_in_dim3A_346 = vector.broadcast %broadcast_in_dim3A_345 : f32 to vector<16xf32>
      %scan3A_347 = arith.constant 0 : i32
      %scan3A_348 = arith.constant 200 : i32
      %scan3A_349 = arith.addi %scan3A_347, %scan3A_348 : i32
      %scan3A_350 = arith.constant 1 : i32
      %scan3A_351:8 = scf.for %scan3A_662 = %scan3A_347 to %scan3A_349 step %scan3A_350 iter_args(%scan3A_663 = %broadcast_in_dim3A_332, %scan3A_664 = %broadcast_in_dim3A_334, %scan3A_665 = %broadcast_in_dim3A_336, %scan3A_666 = %broadcast_in_dim3A_338, %scan3A_667 = %broadcast_in_dim3A_340, %scan3A_668 = %broadcast_in_dim3A_342, %scan3A_669 = %broadcast_in_dim3A_344, %scan3A_670 = %broadcast_in_dim3A_346) -> (vector<16xf32>, vector<16xf32>, vector<16xf32>, vector<16xf32>, vector<16xf32>, vector<16xf32>, vector<16xf32>, vector<16xf32>)  : i32 {
        %get3A = arith.constant 0 : i32
        %get3A_671 = arith.index_cast %get3A : i32 to index
        %get3A_672 = arith.index_cast %scan3A_662 : i32 to index
        %get3A_673 = arith.constant 0 : index
        %get3A_674 = tpu.vector_load %arg6[%get3A_671, %get3A_672, %get3A_673] {strides = array<i32>} : memref<3x200x128xf32, #tpu.memory_space<vmem>>, vector<1x1x16xf32>,
        %get3A_675 = vector.shape_cast %get3A_674 : vector<1x1x16xf32> to vector<16xf32>
        %max3A = arith.maximumf %scan3A_663, %get3A_675 : vector<16xf32>
        %get3A_676 = arith.constant 0 : i32
        %get3A_677 = arith.index_cast %get3A_676 : i32 to index
        %get3A_678 = arith.index_cast %scan3A_662 : i32 to index
        %get3A_679 = arith.constant 16 : index
        %get3A_680 = tpu.vector_load %arg6[%get3A_677, %get3A_678, %get3A_679] {strides = array<i32>} : memref<3x200x128xf32, #tpu.memory_space<vmem>>, vector<1x1x16xf32>,
        %get3A_681 = vector.shape_cast %get3A_680 : vector<1x1x16xf32> to vector<16xf32>
        %max3A_682 = arith.maximumf %scan3A_664, %get3A_681 : vector<16xf32>
        %get3A_683 = arith.constant 0 : i32
        %get3A_684 = arith.index_cast %get3A_683 : i32 to index
        %get3A_685 = arith.index_cast %scan3A_662 : i32 to index
        %get3A_686 = arith.constant 32 : index
        %get3A_687 = tpu.vector_load %arg6[%get3A_684, %get3A_685, %get3A_686] {strides = array<i32>} : memref<3x200x128xf32, #tpu.memory_space<vmem>>, vector<1x1x16xf32>,
        %get3A_688 = vector.shape_cast %get3A_687 : vector<1x1x16xf32> to vector<16xf32>
        %max3A_689 = arith.maximumf %scan3A_665, %get3A_688 : vector<16xf32>
        %get3A_690 = arith.constant 0 : i32
        %get3A_691 = arith.index_cast %get3A_690 : i32 to index
        %get3A_692 = arith.index_cast %scan3A_662 : i32 to index
        %get3A_693 = arith.constant 48 : index
        %get3A_694 = tpu.vector_load %arg6[%get3A_691, %get3A_692, %get3A_693] {strides = array<i32>} : memref<3x200x128xf32, #tpu.memory_space<vmem>>, vector<1x1x16xf32>,
        %get3A_695 = vector.shape_cast %get3A_694 : vector<1x1x16xf32> to vector<16xf32>
        %max3A_696 = arith.maximumf %scan3A_666, %get3A_695 : vector<16xf32>
        %get3A_697 = arith.constant 0 : i32
        %get3A_698 = arith.index_cast %get3A_697 : i32 to index
        %get3A_699 = arith.index_cast %scan3A_662 : i32 to index
        %get3A_700 = arith.constant 64 : index
        %get3A_701 = tpu.vector_load %arg6[%get3A_698, %get3A_699, %get3A_700] {strides = array<i32>} : memref<3x200x128xf32, #tpu.memory_space<vmem>>, vector<1x1x16xf32>,
        %get3A_702 = vector.shape_cast %get3A_701 : vector<1x1x16xf32> to vector<16xf32>
        %max3A_703 = arith.maximumf %scan3A_667, %get3A_702 : vector<16xf32>
        %get3A_704 = arith.constant 0 : i32
        %get3A_705 = arith.index_cast %get3A_704 : i32 to index
        %get3A_706 = arith.index_cast %scan3A_662 : i32 to index
        %get3A_707 = arith.constant 80 : index
        %get3A_708 = tpu.vector_load %arg6[%get3A_705, %get3A_706, %get3A_707] {strides = array<i32>} : memref<3x200x128xf32, #tpu.memory_space<vmem>>, vector<1x1x16xf32>,
        %get3A_709 = vector.shape_cast %get3A_708 : vector<1x1x16xf32> to vector<16xf32>
        %max3A_710 = arith.maximumf %scan3A_668, %get3A_709 : vector<16xf32>
        %get3A_711 = arith.constant 0 : i32
        %get3A_712 = arith.index_cast %get3A_711 : i32 to index
        %get3A_713 = arith.index_cast %scan3A_662 : i32 to index
        %get3A_714 = arith.constant 96 : index
        %get3A_715 = tpu.vector_load %arg6[%get3A_712, %get3A_713, %get3A_714] {strides = array<i32>} : memref<3x200x128xf32, #tpu.memory_space<vmem>>, vector<1x1x16xf32>,
        %get3A_716 = vector.shape_cast %get3A_715 : vector<1x1x16xf32> to vector<16xf32>
        %max3A_717 = arith.maximumf %scan3A_669, %get3A_716 : vector<16xf32>
        %get3A_718 = arith.constant 0 : i32
        %get3A_719 = arith.index_cast %get3A_718 : i32 to index
        %get3A_720 = arith.index_cast %scan3A_662 : i32 to index
        %get3A_721 = arith.constant 112 : index
        %get3A_722 = tpu.vector_load %arg6[%get3A_719, %get3A_720, %get3A_721] {strides = array<i32>} : memref<3x200x128xf32, #tpu.memory_space<vmem>>, vector<1x1x16xf32>,
        %get3A_723 = vector.shape_cast %get3A_722 : vector<1x1x16xf32> to vector<16xf32>
        %max3A_724 = arith.maximumf %scan3A_670, %get3A_723 : vector<16xf32>
        scf.yield %max3A, %max3A_682, %max3A_689, %max3A_696, %max3A_703, %max3A_710, %max3A_717, %max3A_724 : vector<16xf32>, vector<16xf32>, vector<16xf32>, vector<16xf32>, vector<16xf32>, vector<16xf32>, vector<16xf32>, vector<16xf32>
      }
      %scan3A_352 = arith.constant 200 : i32
      %swap3A_353 = arith.index_cast %add3A_330 : i32 to index
      %swap3A_354 = arith.constant 0 : index
      %swap3A_355 = tpu.vector_load %arg7[%swap3A_353, %swap3A_354] {strides = array<i32>} : memref<128x128xf32, #tpu.memory_space<vmem>>, vector<1x16xf32>,
      %swap3A_356 = vector.shape_cast %swap3A_355 : vector<1x16xf32> to vector<16xf32>
      %swap3A_357 = vector.shape_cast %scan3A_351#0 : vector<16xf32> to vector<1x16xf32>
      tpu.vector_store %arg7[%swap3A_353, %swap3A_354], %swap3A_357 {strides = array<i32>} : memref<128x128xf32, #tpu.memory_space<vmem>>, vector<1x16xf32>,
      %swap3A_358 = arith.index_cast %add3A_330 : i32 to index
      %swap3A_359 = arith.constant 16 : index
      %swap3A_360 = tpu.vector_load %arg7[%swap3A_358, %swap3A_359] {strides = array<i32>} : memref<128x128xf32, #tpu.memory_space<vmem>>, vector<1x16xf32>,
      %swap3A_361 = vector.shape_cast %swap3A_360 : vector<1x16xf32> to vector<16xf32>
      %swap3A_362 = vector.shape_cast %scan3A_351#1 : vector<16xf32> to vector<1x16xf32>
      tpu.vector_store %arg7[%swap3A_358, %swap3A_359], %swap3A_362 {strides = array<i32>} : memref<128x128xf32, #tpu.memory_space<vmem>>, vector<1x16xf32>,
      %swap3A_363 = arith.index_cast %add3A_330 : i32 to index
      %swap3A_364 = arith.constant 32 : index
      %swap3A_365 = tpu.vector_load %arg7[%swap3A_363, %swap3A_364] {strides = array<i32>} : memref<128x128xf32, #tpu.memory_space<vmem>>, vector<1x16xf32>,
      %swap3A_366 = vector.shape_cast %swap3A_365 : vector<1x16xf32> to vector<16xf32>
      %swap3A_367 = vector.shape_cast %scan3A_351#2 : vector<16xf32> to vector<1x16xf32>
      tpu.vector_store %arg7[%swap3A_363, %swap3A_364], %swap3A_367 {strides = array<i32>} : memref<128x128xf32, #tpu.memory_space<vmem>>, vector<1x16xf32>,
      %swap3A_368 = arith.index_cast %add3A_330 : i32 to index
      %swap3A_369 = arith.constant 48 : index
      %swap3A_370 = tpu.vector_load %arg7[%swap3A_368, %swap3A_369] {strides = array<i32>} : memref<128x128xf32, #tpu.memory_space<vmem>>, vector<1x16xf32>,
      %swap3A_371 = vector.shape_cast %swap3A_370 : vector<1x16xf32> to vector<16xf32>
      %swap3A_372 = vector.shape_cast %scan3A_351#3 : vector<16xf32> to vector<1x16xf32>
      tpu.vector_store %arg7[%swap3A_368, %swap3A_369], %swap3A_372 {strides = array<i32>} : memref<128x128xf32, #tpu.memory_space<vmem>>, vector<1x16xf32>,
      %swap3A_373 = arith.index_cast %add3A_330 : i32 to index
      %swap3A_374 = arith.constant 64 : index
      %swap3A_375 = tpu.vector_load %arg7[%swap3A_373, %swap3A_374] {strides = array<i32>} : memref<128x128xf32, #tpu.memory_space<vmem>>, vector<1x16xf32>,
      %swap3A_376 = vector.shape_cast %swap3A_375 : vector<1x16xf32> to vector<16xf32>
      %swap3A_377 = vector.shape_cast %scan3A_351#4 : vector<16xf32> to vector<1x16xf32>
      tpu.vector_store %arg7[%swap3A_373, %swap3A_374], %swap3A_377 {strides = array<i32>} : memref<128x128xf32, #tpu.memory_space<vmem>>, vector<1x16xf32>,
      %swap3A_378 = arith.index_cast %add3A_330 : i32 to index
      %swap3A_379 = arith.constant 80 : index
      %swap3A_380 = tpu.vector_load %arg7[%swap3A_378, %swap3A_379] {strides = array<i32>} : memref<128x128xf32, #tpu.memory_space<vmem>>, vector<1x16xf32>,
      %swap3A_381 = vector.shape_cast %swap3A_380 : vector<1x16xf32> to vector<16xf32>
      %swap3A_382 = vector.shape_cast %scan3A_351#5 : vector<16xf32> to vector<1x16xf32>
      tpu.vector_store %arg7[%swap3A_378, %swap3A_379], %swap3A_382 {strides = array<i32>} : memref<128x128xf32, #tpu.memory_space<vmem>>, vector<1x16xf32>,
      %swap3A_383 = arith.index_cast %add3A_330 : i32 to index
      %swap3A_384 = arith.constant 96 : index
      %swap3A_385 = tpu.vector_load %arg7[%swap3A_383, %swap3A_384] {strides = array<i32>} : memref<128x128xf32, #tpu.memory_space<vmem>>, vector<1x16xf32>,
      %swap3A_386 = vector.shape_cast %swap3A_385 : vector<1x16xf32> to vector<16xf32>
      %swap3A_387 = vector.shape_cast %scan3A_351#6 : vector<16xf32> to vector<1x16xf32>
      tpu.vector_store %arg7[%swap3A_383, %swap3A_384], %swap3A_387 {strides = array<i32>} : memref<128x128xf32, #tpu.memory_space<vmem>>, vector<1x16xf32>,
      %swap3A_388 = arith.index_cast %add3A_330 : i32 to index
      %swap3A_389 = arith.constant 112 : index
      %swap3A_390 = tpu.vector_load %arg7[%swap3A_388, %swap3A_389] {strides = array<i32>} : memref<128x128xf32, #tpu.memory_space<vmem>>, vector<1x16xf32>,
      %swap3A_391 = vector.shape_cast %swap3A_390 : vector<1x16xf32> to vector<16xf32>
      %swap3A_392 = vector.shape_cast %scan3A_351#7 : vector<16xf32> to vector<1x16xf32>
      tpu.vector_store %arg7[%swap3A_388, %swap3A_389], %swap3A_392 {strides = array<i32>} : memref<128x128xf32, #tpu.memory_space<vmem>>, vector<1x16xf32>,
      %add3A_393 = arith.constant 0 : i32
      %add3A_394 = arith.addi %mul3A_302, %add3A_393 : i32
      %add3A_395 = arith.constant 3 : i32
      %add3A_396 = arith.addi %add3A_394, %add3A_395 : i32
      %rem3A = arith.constant 128 : i32
      %rem3A_397 = arith.remsi %add3A_396, %rem3A : i32
      %dma_start3A_398 = arith.constant 0 : i32
      %dma_start3A_399 = arith.constant 0 : i32
      %dma_start3A_400 = arith.constant 0 : i32
      %dma_start3A_401 = arith.constant 0 : i32
      %dma_start3A_402 = tpu.memref_slice %arg6[%dma_start3A_399, %dma_start3A_400, %dma_start3A_401] : memref<3x200x128xf32, #tpu.memory_space<vmem>> -> memref<1x100x128xf32, #tpu.memory_space<vmem>>
      %dma_start3A_403 = tpu.memref_squeeze %dma_start3A_402 : memref<1x100x128xf32, #tpu.memory_space<vmem>> -> memref<100x128xf32, #tpu.memory_space<vmem>>
      %dma_start3A_404 = arith.constant 0 : i32
      %dma_start3A_405 = tpu.memref_slice %arg5[%rem3A_397, %dma_start3A_398, %dma_start3A_404] : memref<128x2x100xi32, #tpu.memory_space<vmem>> -> memref<1x1x100xi32, #tpu.memory_space<vmem>>
      %dma_start3A_406 = tpu.memref_squeeze %dma_start3A_405 : memref<1x1x100xi32, #tpu.memory_space<vmem>> -> memref<100xi32, #tpu.memory_space<vmem>>
      %dma_start3A_407 = arith.constant 0 : i32
      %dma_start3A_408 = arith.constant 0 : i32
      %dma_start3A_409 = tpu.memref_slice %arg3[%dma_start3A_407, %dma_start3A_408] : memref<100000x128xf32, #tpu.memory_space<hbm>> -> memref<100000x128xf32, #tpu.memory_space<hbm>>
      tpu.enqueue_indirect_dma source(%dma_start3A_409 : memref<100000x128xf32, #tpu.memory_space<hbm>>) target(%dma_start3A_403 : memref<100x128xf32, #tpu.memory_space<vmem>>) offsets(%dma_start3A_406 : memref<100xi32, #tpu.memory_space<vmem>>) semaphore(%arg8 : memref<!tpu.dma_semaphore, #tpu.memory_space<semaphore_mem>>)
      %dma_start3A_410 = arith.constant 1 : i32
      %dma_start3A_411 = arith.constant 0 : i32
      %dma_start3A_412 = arith.constant 100 : i32
      %dma_start3A_413 = arith.constant 0 : i32
      %dma_start3A_414 = tpu.memref_slice %arg6[%dma_start3A_411, %dma_start3A_412, %dma_start3A_413] : memref<3x200x128xf32, #tpu.memory_space<vmem>> -> memref<1x100x128xf32, #tpu.memory_space<vmem>>
      %dma_start3A_415 = tpu.memref_squeeze %dma_start3A_414 : memref<1x100x128xf32, #tpu.memory_space<vmem>> -> memref<100x128xf32, #tpu.memory_space<vmem>>
      %dma_start3A_416 = arith.constant 0 : i32
      %dma_start3A_417 = tpu.memref_slice %arg5[%rem3A_397, %dma_start3A_410, %dma_start3A_416] : memref<128x2x100xi32, #tpu.memory_space<vmem>> -> memref<1x1x100xi32, #tpu.memory_space<vmem>>
      %dma_start3A_418 = tpu.memref_squeeze %dma_start3A_417 : memref<1x1x100xi32, #tpu.memory_space<vmem>> -> memref<100xi32, #tpu.memory_space<vmem>>
      %dma_start3A_419 = arith.constant 0 : i32
      %dma_start3A_420 = arith.constant 0 : i32
      %dma_start3A_421 = tpu.memref_slice %arg3[%dma_start3A_419, %dma_start3A_420] : memref<100000x128xf32, #tpu.memory_space<hbm>> -> memref<100000x128xf32, #tpu.memory_space<hbm>>
      tpu.enqueue_indirect_dma source(%dma_start3A_421 : memref<100000x128xf32, #tpu.memory_space<hbm>>) target(%dma_start3A_415 : memref<100x128xf32, #tpu.memory_space<vmem>>) offsets(%dma_start3A_418 : memref<100xi32, #tpu.memory_space<vmem>>) semaphore(%arg8 : memref<!tpu.dma_semaphore, #tpu.memory_space<semaphore_mem>>)
      %dma_wait3A_422 = arith.constant 0 : i32
      %dma_wait3A_423 = arith.constant 0 : i32
      %dma_wait3A_424 = arith.constant 1 : i32
      %dma_wait3A_425 = arith.constant 0 : i32
      %dma_wait3A_426 = arith.constant 0 : i32
      %dma_wait3A_427 = tpu.memref_slice %arg6[%dma_wait3A_424, %dma_wait3A_425, %dma_wait3A_426] : memref<3x200x128xf32, #tpu.memory_space<vmem>> -> memref<1x100x128xf32, #tpu.memory_space<vmem>>
      %dma_wait3A_428 = tpu.memref_squeeze %dma_wait3A_427 : memref<1x100x128xf32, #tpu.memory_space<vmem>> -> memref<100x128xf32, #tpu.memory_space<vmem>>
      %dma_wait3A_429 = arith.constant 0 : i32
      %dma_wait3A_430 = tpu.memref_slice %arg5[%dma_wait3A_422, %dma_wait3A_423, %dma_wait3A_429] : memref<128x2x100xi32, #tpu.memory_space<vmem>> -> memref<1x1x100xi32, #tpu.memory_space<vmem>>
      %dma_wait3A_431 = tpu.memref_squeeze %dma_wait3A_430 : memref<1x1x100xi32, #tpu.memory_space<vmem>> -> memref<100xi32, #tpu.memory_space<vmem>>
      %dma_wait3A_432 = arith.constant 0 : i32
      %dma_wait3A_433 = arith.constant 0 : i32
      %dma_wait3A_434 = tpu.memref_slice %arg3[%dma_wait3A_432, %dma_wait3A_433] : memref<100000x128xf32, #tpu.memory_space<hbm>> -> memref<100000x128xf32, #tpu.memory_space<hbm>>
      tpu.wait_indirect_dma semaphore(%arg9 : memref<!tpu.dma_semaphore, #tpu.memory_space<semaphore_mem>>) src(%dma_wait3A_434 : memref<100000x128xf32, #tpu.memory_space<hbm>>) dst(%dma_wait3A_428 : memref<100x128xf32, #tpu.memory_space<vmem>>)
      %dma_wait3A_435 = arith.constant 0 : i32
      %dma_wait3A_436 = arith.constant 1 : i32
      %dma_wait3A_437 = arith.constant 1 : i32
      %dma_wait3A_438 = arith.constant 100 : i32
      %dma_wait3A_439 = arith.constant 0 : i32
      %dma_wait3A_440 = tpu.memref_slice %arg6[%dma_wait3A_437, %dma_wait3A_438, %dma_wait3A_439] : memref<3x200x128xf32, #tpu.memory_space<vmem>> -> memref<1x100x128xf32, #tpu.memory_space<vmem>>
      %dma_wait3A_441 = tpu.memref_squeeze %dma_wait3A_440 : memref<1x100x128xf32, #tpu.memory_space<vmem>> -> memref<100x128xf32, #tpu.memory_space<vmem>>
      %dma_wait3A_442 = arith.constant 0 : i32
      %dma_wait3A_443 = tpu.memref_slice %arg5[%dma_wait3A_435, %dma_wait3A_436, %dma_wait3A_442] : memref<128x2x100xi32, #tpu.memory_space<vmem>> -> memref<1x1x100xi32, #tpu.memory_space<vmem>>
      %dma_wait3A_444 = tpu.memref_squeeze %dma_wait3A_443 : memref<1x1x100xi32, #tpu.memory_space<vmem>> -> memref<100xi32, #tpu.memory_space<vmem>>
      %dma_wait3A_445 = arith.constant 0 : i32
      %dma_wait3A_446 = arith.constant 0 : i32
      %dma_wait3A_447 = tpu.memref_slice %arg3[%dma_wait3A_445, %dma_wait3A_446] : memref<100000x128xf32, #tpu.memory_space<hbm>> -> memref<100000x128xf32, #tpu.memory_space<hbm>>
      tpu.wait_indirect_dma semaphore(%arg9 : memref<!tpu.dma_semaphore, #tpu.memory_space<semaphore_mem>>) src(%dma_wait3A_447 : memref<100000x128xf32, #tpu.memory_space<hbm>>) dst(%dma_wait3A_441 : memref<100x128xf32, #tpu.memory_space<vmem>>)
      %add3A_448 = arith.constant 1 : i32
      %add3A_449 = arith.addi %mul3A_302, %add3A_448 : i32
      %broadcast_in_dim3A_450 = arith.constant 0xFF800000 : f32
      %broadcast_in_dim3A_451 = vector.broadcast %broadcast_in_dim3A_450 : f32 to vector<16xf32>
      %broadcast_in_dim3A_452 = arith.constant 0xFF800000 : f32
      %broadcast_in_dim3A_453 = vector.broadcast %broadcast_in_dim3A_452 : f32 to vector<16xf32>
      %broadcast_in_dim3A_454 = arith.constant 0xFF800000 : f32
      %broadcast_in_dim3A_455 = vector.broadcast %broadcast_in_dim3A_454 : f32 to vector<16xf32>
      %broadcast_in_dim3A_456 = arith.constant 0xFF800000 : f32
      %broadcast_in_dim3A_457 = vector.broadcast %broadcast_in_dim3A_456 : f32 to vector<16xf32>
      %broadcast_in_dim3A_458 = arith.constant 0xFF800000 : f32
      %broadcast_in_dim3A_459 = vector.broadcast %broadcast_in_dim3A_458 : f32 to vector<16xf32>
      %broadcast_in_dim3A_460 = arith.constant 0xFF800000 : f32
      %broadcast_in_dim3A_461 = vector.broadcast %broadcast_in_dim3A_460 : f32 to vector<16xf32>
      %broadcast_in_dim3A_462 = arith.constant 0xFF800000 : f32
      %broadcast_in_dim3A_463 = vector.broadcast %broadcast_in_dim3A_462 : f32 to vector<16xf32>
      %broadcast_in_dim3A_464 = arith.constant 0xFF800000 : f32
      %broadcast_in_dim3A_465 = vector.broadcast %broadcast_in_dim3A_464 : f32 to vector<16xf32>
      %scan3A_466 = arith.constant 0 : i32
      %scan3A_467 = arith.constant 200 : i32
      %scan3A_468 = arith.addi %scan3A_466, %scan3A_467 : i32
      %scan3A_469 = arith.constant 1 : i32
      %scan3A_470:8 = scf.for %scan3A_662 = %scan3A_466 to %scan3A_468 step %scan3A_469 iter_args(%scan3A_663 = %broadcast_in_dim3A_451, %scan3A_664 = %broadcast_in_dim3A_453, %scan3A_665 = %broadcast_in_dim3A_455, %scan3A_666 = %broadcast_in_dim3A_457, %scan3A_667 = %broadcast_in_dim3A_459, %scan3A_668 = %broadcast_in_dim3A_461, %scan3A_669 = %broadcast_in_dim3A_463, %scan3A_670 = %broadcast_in_dim3A_465) -> (vector<16xf32>, vector<16xf32>, vector<16xf32>, vector<16xf32>, vector<16xf32>, vector<16xf32>, vector<16xf32>, vector<16xf32>)  : i32 {
        %get3A = arith.constant 1 : i32
        %get3A_671 = arith.index_cast %get3A : i32 to index
        %get3A_672 = arith.index_cast %scan3A_662 : i32 to index
        %get3A_673 = arith.constant 0 : index
        %get3A_674 = tpu.vector_load %arg6[%get3A_671, %get3A_672, %get3A_673] {strides = array<i32>} : memref<3x200x128xf32, #tpu.memory_space<vmem>>, vector<1x1x16xf32>,
        %get3A_675 = vector.shape_cast %get3A_674 : vector<1x1x16xf32> to vector<16xf32>
        %max3A = arith.maximumf %scan3A_663, %get3A_675 : vector<16xf32>
        %get3A_676 = arith.constant 1 : i32
        %get3A_677 = arith.index_cast %get3A_676 : i32 to index
        %get3A_678 = arith.index_cast %scan3A_662 : i32 to index
        %get3A_679 = arith.constant 16 : index
        %get3A_680 = tpu.vector_load %arg6[%get3A_677, %get3A_678, %get3A_679] {strides = array<i32>} : memref<3x200x128xf32, #tpu.memory_space<vmem>>, vector<1x1x16xf32>,
        %get3A_681 = vector.shape_cast %get3A_680 : vector<1x1x16xf32> to vector<16xf32>
        %max3A_682 = arith.maximumf %scan3A_664, %get3A_681 : vector<16xf32>
        %get3A_683 = arith.constant 1 : i32
        %get3A_684 = arith.index_cast %get3A_683 : i32 to index
        %get3A_685 = arith.index_cast %scan3A_662 : i32 to index
        %get3A_686 = arith.constant 32 : index
        %get3A_687 = tpu.vector_load %arg6[%get3A_684, %get3A_685, %get3A_686] {strides = array<i32>} : memref<3x200x128xf32, #tpu.memory_space<vmem>>, vector<1x1x16xf32>,
        %get3A_688 = vector.shape_cast %get3A_687 : vector<1x1x16xf32> to vector<16xf32>
        %max3A_689 = arith.maximumf %scan3A_665, %get3A_688 : vector<16xf32>
        %get3A_690 = arith.constant 1 : i32
        %get3A_691 = arith.index_cast %get3A_690 : i32 to index
        %get3A_692 = arith.index_cast %scan3A_662 : i32 to index
        %get3A_693 = arith.constant 48 : index
        %get3A_694 = tpu.vector_load %arg6[%get3A_691, %get3A_692, %get3A_693] {strides = array<i32>} : memref<3x200x128xf32, #tpu.memory_space<vmem>>, vector<1x1x16xf32>,
        %get3A_695 = vector.shape_cast %get3A_694 : vector<1x1x16xf32> to vector<16xf32>
        %max3A_696 = arith.maximumf %scan3A_666, %get3A_695 : vector<16xf32>
        %get3A_697 = arith.constant 1 : i32
        %get3A_698 = arith.index_cast %get3A_697 : i32 to index
        %get3A_699 = arith.index_cast %scan3A_662 : i32 to index
        %get3A_700 = arith.constant 64 : index
        %get3A_701 = tpu.vector_load %arg6[%get3A_698, %get3A_699, %get3A_700] {strides = array<i32>} : memref<3x200x128xf32, #tpu.memory_space<vmem>>, vector<1x1x16xf32>,
        %get3A_702 = vector.shape_cast %get3A_701 : vector<1x1x16xf32> to vector<16xf32>
        %max3A_703 = arith.maximumf %scan3A_667, %get3A_702 : vector<16xf32>
        %get3A_704 = arith.constant 1 : i32
        %get3A_705 = arith.index_cast %get3A_704 : i32 to index
        %get3A_706 = arith.index_cast %scan3A_662 : i32 to index
        %get3A_707 = arith.constant 80 : index
        %get3A_708 = tpu.vector_load %arg6[%get3A_705, %get3A_706, %get3A_707] {strides = array<i32>} : memref<3x200x128xf32, #tpu.memory_space<vmem>>, vector<1x1x16xf32>,
        %get3A_709 = vector.shape_cast %get3A_708 : vector<1x1x16xf32> to vector<16xf32>
        %max3A_710 = arith.maximumf %scan3A_668, %get3A_709 : vector<16xf32>
        %get3A_711 = arith.constant 1 : i32
        %get3A_712 = arith.index_cast %get3A_711 : i32 to index
        %get3A_713 = arith.index_cast %scan3A_662 : i32 to index
        %get3A_714 = arith.constant 96 : index
        %get3A_715 = tpu.vector_load %arg6[%get3A_712, %get3A_713, %get3A_714] {strides = array<i32>} : memref<3x200x128xf32, #tpu.memory_space<vmem>>, vector<1x1x16xf32>,
        %get3A_716 = vector.shape_cast %get3A_715 : vector<1x1x16xf32> to vector<16xf32>
        %max3A_717 = arith.maximumf %scan3A_669, %get3A_716 : vector<16xf32>
        %get3A_718 = arith.constant 1 : i32
        %get3A_719 = arith.index_cast %get3A_718 : i32 to index
        %get3A_720 = arith.index_cast %scan3A_662 : i32 to index
        %get3A_721 = arith.constant 112 : index
        %get3A_722 = tpu.vector_load %arg6[%get3A_719, %get3A_720, %get3A_721] {strides = array<i32>} : memref<3x200x128xf32, #tpu.memory_space<vmem>>, vector<1x1x16xf32>,
        %get3A_723 = vector.shape_cast %get3A_722 : vector<1x1x16xf32> to vector<16xf32>
        %max3A_724 = arith.maximumf %scan3A_670, %get3A_723 : vector<16xf32>
        scf.yield %max3A, %max3A_682, %max3A_689, %max3A_696, %max3A_703, %max3A_710, %max3A_717, %max3A_724 : vector<16xf32>, vector<16xf32>, vector<16xf32>, vector<16xf32>, vector<16xf32>, vector<16xf32>, vector<16xf32>, vector<16xf32>
      }
      %scan3A_471 = arith.constant 200 : i32
      %swap3A_472 = arith.index_cast %add3A_449 : i32 to index
      %swap3A_473 = arith.constant 0 : index
      %swap3A_474 = tpu.vector_load %arg7[%swap3A_472, %swap3A_473] {strides = array<i32>} : memref<128x128xf32, #tpu.memory_space<vmem>>, vector<1x16xf32>,
      %swap3A_475 = vector.shape_cast %swap3A_474 : vector<1x16xf32> to vector<16xf32>
      %swap3A_476 = vector.shape_cast %scan3A_470#0 : vector<16xf32> to vector<1x16xf32>
      tpu.vector_store %arg7[%swap3A_472, %swap3A_473], %swap3A_476 {strides = array<i32>} : memref<128x128xf32, #tpu.memory_space<vmem>>, vector<1x16xf32>,
      %swap3A_477 = arith.index_cast %add3A_449 : i32 to index
      %swap3A_478 = arith.constant 16 : index
      %swap3A_479 = tpu.vector_load %arg7[%swap3A_477, %swap3A_478] {strides = array<i32>} : memref<128x128xf32, #tpu.memory_space<vmem>>, vector<1x16xf32>,
      %swap3A_480 = vector.shape_cast %swap3A_479 : vector<1x16xf32> to vector<16xf32>
      %swap3A_481 = vector.shape_cast %scan3A_470#1 : vector<16xf32> to vector<1x16xf32>
      tpu.vector_store %arg7[%swap3A_477, %swap3A_478], %swap3A_481 {strides = array<i32>} : memref<128x128xf32, #tpu.memory_space<vmem>>, vector<1x16xf32>,
      %swap3A_482 = arith.index_cast %add3A_449 : i32 to index
      %swap3A_483 = arith.constant 32 : index
      %swap3A_484 = tpu.vector_load %arg7[%swap3A_482, %swap3A_483] {strides = array<i32>} : memref<128x128xf32, #tpu.memory_space<vmem>>, vector<1x16xf32>,
      %swap3A_485 = vector.shape_cast %swap3A_484 : vector<1x16xf32> to vector<16xf32>
      %swap3A_486 = vector.shape_cast %scan3A_470#2 : vector<16xf32> to vector<1x16xf32>
      tpu.vector_store %arg7[%swap3A_482, %swap3A_483], %swap3A_486 {strides = array<i32>} : memref<128x128xf32, #tpu.memory_space<vmem>>, vector<1x16xf32>,
      %swap3A_487 = arith.index_cast %add3A_449 : i32 to index
      %swap3A_488 = arith.constant 48 : index
      %swap3A_489 = tpu.vector_load %arg7[%swap3A_487, %swap3A_488] {strides = array<i32>} : memref<128x128xf32, #tpu.memory_space<vmem>>, vector<1x16xf32>,
      %swap3A_490 = vector.shape_cast %swap3A_489 : vector<1x16xf32> to vector<16xf32>
      %swap3A_491 = vector.shape_cast %scan3A_470#3 : vector<16xf32> to vector<1x16xf32>
      tpu.vector_store %arg7[%swap3A_487, %swap3A_488], %swap3A_491 {strides = array<i32>} : memref<128x128xf32, #tpu.memory_space<vmem>>, vector<1x16xf32>,
      %swap3A_492 = arith.index_cast %add3A_449 : i32 to index
      %swap3A_493 = arith.constant 64 : index
      %swap3A_494 = tpu.vector_load %arg7[%swap3A_492, %swap3A_493] {strides = array<i32>} : memref<128x128xf32, #tpu.memory_space<vmem>>, vector<1x16xf32>,
      %swap3A_495 = vector.shape_cast %swap3A_494 : vector<1x16xf32> to vector<16xf32>
      %swap3A_496 = vector.shape_cast %scan3A_470#4 : vector<16xf32> to vector<1x16xf32>
      tpu.vector_store %arg7[%swap3A_492, %swap3A_493], %swap3A_496 {strides = array<i32>} : memref<128x128xf32, #tpu.memory_space<vmem>>, vector<1x16xf32>,
      %swap3A_497 = arith.index_cast %add3A_449 : i32 to index
      %swap3A_498 = arith.constant 80 : index
      %swap3A_499 = tpu.vector_load %arg7[%swap3A_497, %swap3A_498] {strides = array<i32>} : memref<128x128xf32, #tpu.memory_space<vmem>>, vector<1x16xf32>,
      %swap3A_500 = vector.shape_cast %swap3A_499 : vector<1x16xf32> to vector<16xf32>
      %swap3A_501 = vector.shape_cast %scan3A_470#5 : vector<16xf32> to vector<1x16xf32>
      tpu.vector_store %arg7[%swap3A_497, %swap3A_498], %swap3A_501 {strides = array<i32>} : memref<128x128xf32, #tpu.memory_space<vmem>>, vector<1x16xf32>,
      %swap3A_502 = arith.index_cast %add3A_449 : i32 to index
      %swap3A_503 = arith.constant 96 : index
      %swap3A_504 = tpu.vector_load %arg7[%swap3A_502, %swap3A_503] {strides = array<i32>} : memref<128x128xf32, #tpu.memory_space<vmem>>, vector<1x16xf32>,
      %swap3A_505 = vector.shape_cast %swap3A_504 : vector<1x16xf32> to vector<16xf32>
      %swap3A_506 = vector.shape_cast %scan3A_470#6 : vector<16xf32> to vector<1x16xf32>
      tpu.vector_store %arg7[%swap3A_502, %swap3A_503], %swap3A_506 {strides = array<i32>} : memref<128x128xf32, #tpu.memory_space<vmem>>, vector<1x16xf32>,
      %swap3A_507 = arith.index_cast %add3A_449 : i32 to index
      %swap3A_508 = arith.constant 112 : index
      %swap3A_509 = tpu.vector_load %arg7[%swap3A_507, %swap3A_508] {strides = array<i32>} : memref<128x128xf32, #tpu.memory_space<vmem>>, vector<1x16xf32>,
      %swap3A_510 = vector.shape_cast %swap3A_509 : vector<1x16xf32> to vector<16xf32>
      %swap3A_511 = vector.shape_cast %scan3A_470#7 : vector<16xf32> to vector<1x16xf32>
      tpu.vector_store %arg7[%swap3A_507, %swap3A_508], %swap3A_511 {strides = array<i32>} : memref<128x128xf32, #tpu.memory_space<vmem>>, vector<1x16xf32>,
      %add3A_512 = arith.constant 1 : i32
      %add3A_513 = arith.addi %mul3A_302, %add3A_512 : i32
      %add3A_514 = arith.constant 3 : i32
      %add3A_515 = arith.addi %add3A_513, %add3A_514 : i32
      %rem3A_516 = arith.constant 128 : i32
      %rem3A_517 = arith.remsi %add3A_515, %rem3A_516 : i32
      %dma_start3A_518 = arith.constant 0 : i32
      %dma_start3A_519 = arith.constant 1 : i32
      %dma_start3A_520 = arith.constant 0 : i32
      %dma_start3A_521 = arith.constant 0 : i32
      %dma_start3A_522 = tpu.memref_slice %arg6[%dma_start3A_519, %dma_start3A_520, %dma_start3A_521] : memref<3x200x128xf32, #tpu.memory_space<vmem>> -> memref<1x100x128xf32, #tpu.memory_space<vmem>>
      %dma_start3A_523 = tpu.memref_squeeze %dma_start3A_522 : memref<1x100x128xf32, #tpu.memory_space<vmem>> -> memref<100x128xf32, #tpu.memory_space<vmem>>
      %dma_start3A_524 = arith.constant 0 : i32
      %dma_start3A_525 = tpu.memref_slice %arg5[%rem3A_517, %dma_start3A_518, %dma_start3A_524] : memref<128x2x100xi32, #tpu.memory_space<vmem>> -> memref<1x1x100xi32, #tpu.memory_space<vmem>>
      %dma_start3A_526 = tpu.memref_squeeze %dma_start3A_525 : memref<1x1x100xi32, #tpu.memory_space<vmem>> -> memref<100xi32, #tpu.memory_space<vmem>>
      %dma_start3A_527 = arith.constant 0 : i32
      %dma_start3A_528 = arith.constant 0 : i32
      %dma_start3A_529 = tpu.memref_slice %arg3[%dma_start3A_527, %dma_start3A_528] : memref<100000x128xf32, #tpu.memory_space<hbm>> -> memref<100000x128xf32, #tpu.memory_space<hbm>>
      tpu.enqueue_indirect_dma source(%dma_start3A_529 : memref<100000x128xf32, #tpu.memory_space<hbm>>) target(%dma_start3A_523 : memref<100x128xf32, #tpu.memory_space<vmem>>) offsets(%dma_start3A_526 : memref<100xi32, #tpu.memory_space<vmem>>) semaphore(%arg9 : memref<!tpu.dma_semaphore, #tpu.memory_space<semaphore_mem>>)
      %dma_start3A_530 = arith.constant 1 : i32
      %dma_start3A_531 = arith.constant 1 : i32
      %dma_start3A_532 = arith.constant 100 : i32
      %dma_start3A_533 = arith.constant 0 : i32
      %dma_start3A_534 = tpu.memref_slice %arg6[%dma_start3A_531, %dma_start3A_532, %dma_start3A_533] : memref<3x200x128xf32, #tpu.memory_space<vmem>> -> memref<1x100x128xf32, #tpu.memory_space<vmem>>
      %dma_start3A_535 = tpu.memref_squeeze %dma_start3A_534 : memref<1x100x128xf32, #tpu.memory_space<vmem>> -> memref<100x128xf32, #tpu.memory_space<vmem>>
      %dma_start3A_536 = arith.constant 0 : i32
      %dma_start3A_537 = tpu.memref_slice %arg5[%rem3A_517, %dma_start3A_530, %dma_start3A_536] : memref<128x2x100xi32, #tpu.memory_space<vmem>> -> memref<1x1x100xi32, #tpu.memory_space<vmem>>
      %dma_start3A_538 = tpu.memref_squeeze %dma_start3A_537 : memref<1x1x100xi32, #tpu.memory_space<vmem>> -> memref<100xi32, #tpu.memory_space<vmem>>
      %dma_start3A_539 = arith.constant 0 : i32
      %dma_start3A_540 = arith.constant 0 : i32
      %dma_start3A_541 = tpu.memref_slice %arg3[%dma_start3A_539, %dma_start3A_540] : memref<100000x128xf32, #tpu.memory_space<hbm>> -> memref<100000x128xf32, #tpu.memory_space<hbm>>
      tpu.enqueue_indirect_dma source(%dma_start3A_541 : memref<100000x128xf32, #tpu.memory_space<hbm>>) target(%dma_start3A_535 : memref<100x128xf32, #tpu.memory_space<vmem>>) offsets(%dma_start3A_538 : memref<100xi32, #tpu.memory_space<vmem>>) semaphore(%arg9 : memref<!tpu.dma_semaphore, #tpu.memory_space<semaphore_mem>>)
      %dma_wait3A_542 = arith.constant 0 : i32
      %dma_wait3A_543 = arith.constant 0 : i32
      %dma_wait3A_544 = arith.constant 2 : i32
      %dma_wait3A_545 = arith.constant 0 : i32
      %dma_wait3A_546 = arith.constant 0 : i32
      %dma_wait3A_547 = tpu.memref_slice %arg6[%dma_wait3A_544, %dma_wait3A_545, %dma_wait3A_546] : memref<3x200x128xf32, #tpu.memory_space<vmem>> -> memref<1x100x128xf32, #tpu.memory_space<vmem>>
      %dma_wait3A_548 = tpu.memref_squeeze %dma_wait3A_547 : memref<1x100x128xf32, #tpu.memory_space<vmem>> -> memref<100x128xf32, #tpu.memory_space<vmem>>
      %dma_wait3A_549 = arith.constant 0 : i32
      %dma_wait3A_550 = tpu.memref_slice %arg5[%dma_wait3A_542, %dma_wait3A_543, %dma_wait3A_549] : memref<128x2x100xi32, #tpu.memory_space<vmem>> -> memref<1x1x100xi32, #tpu.memory_space<vmem>>
      %dma_wait3A_551 = tpu.memref_squeeze %dma_wait3A_550 : memref<1x1x100xi32, #tpu.memory_space<vmem>> -> memref<100xi32, #tpu.memory_space<vmem>>
      %dma_wait3A_552 = arith.constant 0 : i32
      %dma_wait3A_553 = arith.constant 0 : i32
      %dma_wait3A_554 = tpu.memref_slice %arg3[%dma_wait3A_552, %dma_wait3A_553] : memref<100000x128xf32, #tpu.memory_space<hbm>> -> memref<100000x128xf32, #tpu.memory_space<hbm>>
      tpu.wait_indirect_dma semaphore(%arg10 : memref<!tpu.dma_semaphore, #tpu.memory_space<semaphore_mem>>) src(%dma_wait3A_554 : memref<100000x128xf32, #tpu.memory_space<hbm>>) dst(%dma_wait3A_548 : memref<100x128xf32, #tpu.memory_space<vmem>>)
      %dma_wait3A_555 = arith.constant 0 : i32
      %dma_wait3A_556 = arith.constant 1 : i32
      %dma_wait3A_557 = arith.constant 2 : i32
      %dma_wait3A_558 = arith.constant 100 : i32
      %dma_wait3A_559 = arith.constant 0 : i32
      %dma_wait3A_560 = tpu.memref_slice %arg6[%dma_wait3A_557, %dma_wait3A_558, %dma_wait3A_559] : memref<3x200x128xf32, #tpu.memory_space<vmem>> -> memref<1x100x128xf32, #tpu.memory_space<vmem>>
      %dma_wait3A_561 = tpu.memref_squeeze %dma_wait3A_560 : memref<1x100x128xf32, #tpu.memory_space<vmem>> -> memref<100x128xf32, #tpu.memory_space<vmem>>
      %dma_wait3A_562 = arith.constant 0 : i32
      %dma_wait3A_563 = tpu.memref_slice %arg5[%dma_wait3A_555, %dma_wait3A_556, %dma_wait3A_562] : memref<128x2x100xi32, #tpu.memory_space<vmem>> -> memref<1x1x100xi32, #tpu.memory_space<vmem>>
      %dma_wait3A_564 = tpu.memref_squeeze %dma_wait3A_563 : memref<1x1x100xi32, #tpu.memory_space<vmem>> -> memref<100xi32, #tpu.memory_space<vmem>>
      %dma_wait3A_565 = arith.constant 0 : i32
      %dma_wait3A_566 = arith.constant 0 : i32
      %dma_wait3A_567 = tpu.memref_slice %arg3[%dma_wait3A_565, %dma_wait3A_566] : memref<100000x128xf32, #tpu.memory_space<hbm>> -> memref<100000x128xf32, #tpu.memory_space<hbm>>
      tpu.wait_indirect_dma semaphore(%arg10 : memref<!tpu.dma_semaphore, #tpu.memory_space<semaphore_mem>>) src(%dma_wait3A_567 : memref<100000x128xf32, #tpu.memory_space<hbm>>) dst(%dma_wait3A_561 : memref<100x128xf32, #tpu.memory_space<vmem>>)
      %add3A_568 = arith.constant 2 : i32
      %add3A_569 = arith.addi %mul3A_302, %add3A_568 : i32
      %broadcast_in_dim3A_570 = arith.constant 0xFF800000 : f32
      %broadcast_in_dim3A_571 = vector.broadcast %broadcast_in_dim3A_570 : f32 to vector<16xf32>
      %broadcast_in_dim3A_572 = arith.constant 0xFF800000 : f32
      %broadcast_in_dim3A_573 = vector.broadcast %broadcast_in_dim3A_572 : f32 to vector<16xf32>
      %broadcast_in_dim3A_574 = arith.constant 0xFF800000 : f32
      %broadcast_in_dim3A_575 = vector.broadcast %broadcast_in_dim3A_574 : f32 to vector<16xf32>
      %broadcast_in_dim3A_576 = arith.constant 0xFF800000 : f32
      %broadcast_in_dim3A_577 = vector.broadcast %broadcast_in_dim3A_576 : f32 to vector<16xf32>
      %broadcast_in_dim3A_578 = arith.constant 0xFF800000 : f32
      %broadcast_in_dim3A_579 = vector.broadcast %broadcast_in_dim3A_578 : f32 to vector<16xf32>
      %broadcast_in_dim3A_580 = arith.constant 0xFF800000 : f32
      %broadcast_in_dim3A_581 = vector.broadcast %broadcast_in_dim3A_580 : f32 to vector<16xf32>
      %broadcast_in_dim3A_582 = arith.constant 0xFF800000 : f32
      %broadcast_in_dim3A_583 = vector.broadcast %broadcast_in_dim3A_582 : f32 to vector<16xf32>
      %broadcast_in_dim3A_584 = arith.constant 0xFF800000 : f32
      %broadcast_in_dim3A_585 = vector.broadcast %broadcast_in_dim3A_584 : f32 to vector<16xf32>
      %scan3A_586 = arith.constant 0 : i32
      %scan3A_587 = arith.constant 200 : i32
      %scan3A_588 = arith.addi %scan3A_586, %scan3A_587 : i32
      %scan3A_589 = arith.constant 1 : i32
      %scan3A_590:8 = scf.for %scan3A_662 = %scan3A_586 to %scan3A_588 step %scan3A_589 iter_args(%scan3A_663 = %broadcast_in_dim3A_571, %scan3A_664 = %broadcast_in_dim3A_573, %scan3A_665 = %broadcast_in_dim3A_575, %scan3A_666 = %broadcast_in_dim3A_577, %scan3A_667 = %broadcast_in_dim3A_579, %scan3A_668 = %broadcast_in_dim3A_581, %scan3A_669 = %broadcast_in_dim3A_583, %scan3A_670 = %broadcast_in_dim3A_585) -> (vector<16xf32>, vector<16xf32>, vector<16xf32>, vector<16xf32>, vector<16xf32>, vector<16xf32>, vector<16xf32>, vector<16xf32>)  : i32 {
        %get3A = arith.constant 2 : i32
        %get3A_671 = arith.index_cast %get3A : i32 to index
        %get3A_672 = arith.index_cast %scan3A_662 : i32 to index
        %get3A_673 = arith.constant 0 : index
        %get3A_674 = tpu.vector_load %arg6[%get3A_671, %get3A_672, %get3A_673] {strides = array<i32>} : memref<3x200x128xf32, #tpu.memory_space<vmem>>, vector<1x1x16xf32>,
        %get3A_675 = vector.shape_cast %get3A_674 : vector<1x1x16xf32> to vector<16xf32>
        %max3A = arith.maximumf %scan3A_663, %get3A_675 : vector<16xf32>
        %get3A_676 = arith.constant 2 : i32
        %get3A_677 = arith.index_cast %get3A_676 : i32 to index
        %get3A_678 = arith.index_cast %scan3A_662 : i32 to index
        %get3A_679 = arith.constant 16 : index
        %get3A_680 = tpu.vector_load %arg6[%get3A_677, %get3A_678, %get3A_679] {strides = array<i32>} : memref<3x200x128xf32, #tpu.memory_space<vmem>>, vector<1x1x16xf32>,
        %get3A_681 = vector.shape_cast %get3A_680 : vector<1x1x16xf32> to vector<16xf32>
        %max3A_682 = arith.maximumf %scan3A_664, %get3A_681 : vector<16xf32>
        %get3A_683 = arith.constant 2 : i32
        %get3A_684 = arith.index_cast %get3A_683 : i32 to index
        %get3A_685 = arith.index_cast %scan3A_662 : i32 to index
        %get3A_686 = arith.constant 32 : index
        %get3A_687 = tpu.vector_load %arg6[%get3A_684, %get3A_685, %get3A_686] {strides = array<i32>} : memref<3x200x128xf32, #tpu.memory_space<vmem>>, vector<1x1x16xf32>,
        %get3A_688 = vector.shape_cast %get3A_687 : vector<1x1x16xf32> to vector<16xf32>
        %max3A_689 = arith.maximumf %scan3A_665, %get3A_688 : vector<16xf32>
        %get3A_690 = arith.constant 2 : i32
        %get3A_691 = arith.index_cast %get3A_690 : i32 to index
        %get3A_692 = arith.index_cast %scan3A_662 : i32 to index
        %get3A_693 = arith.constant 48 : index
        %get3A_694 = tpu.vector_load %arg6[%get3A_691, %get3A_692, %get3A_693] {strides = array<i32>} : memref<3x200x128xf32, #tpu.memory_space<vmem>>, vector<1x1x16xf32>,
        %get3A_695 = vector.shape_cast %get3A_694 : vector<1x1x16xf32> to vector<16xf32>
        %max3A_696 = arith.maximumf %scan3A_666, %get3A_695 : vector<16xf32>
        %get3A_697 = arith.constant 2 : i32
        %get3A_698 = arith.index_cast %get3A_697 : i32 to index
        %get3A_699 = arith.index_cast %scan3A_662 : i32 to index
        %get3A_700 = arith.constant 64 : index
        %get3A_701 = tpu.vector_load %arg6[%get3A_698, %get3A_699, %get3A_700] {strides = array<i32>} : memref<3x200x128xf32, #tpu.memory_space<vmem>>, vector<1x1x16xf32>,
        %get3A_702 = vector.shape_cast %get3A_701 : vector<1x1x16xf32> to vector<16xf32>
        %max3A_703 = arith.maximumf %scan3A_667, %get3A_702 : vector<16xf32>
        %get3A_704 = arith.constant 2 : i32
        %get3A_705 = arith.index_cast %get3A_704 : i32 to index
        %get3A_706 = arith.index_cast %scan3A_662 : i32 to index
        %get3A_707 = arith.constant 80 : index
        %get3A_708 = tpu.vector_load %arg6[%get3A_705, %get3A_706, %get3A_707] {strides = array<i32>} : memref<3x200x128xf32, #tpu.memory_space<vmem>>, vector<1x1x16xf32>,
        %get3A_709 = vector.shape_cast %get3A_708 : vector<1x1x16xf32> to vector<16xf32>
        %max3A_710 = arith.maximumf %scan3A_668, %get3A_709 : vector<16xf32>
        %get3A_711 = arith.constant 2 : i32
        %get3A_712 = arith.index_cast %get3A_711 : i32 to index
        %get3A_713 = arith.index_cast %scan3A_662 : i32 to index
        %get3A_714 = arith.constant 96 : index
        %get3A_715 = tpu.vector_load %arg6[%get3A_712, %get3A_713, %get3A_714] {strides = array<i32>} : memref<3x200x128xf32, #tpu.memory_space<vmem>>, vector<1x1x16xf32>,
        %get3A_716 = vector.shape_cast %get3A_715 : vector<1x1x16xf32> to vector<16xf32>
        %max3A_717 = arith.maximumf %scan3A_669, %get3A_716 : vector<16xf32>
        %get3A_718 = arith.constant 2 : i32
        %get3A_719 = arith.index_cast %get3A_718 : i32 to index
        %get3A_720 = arith.index_cast %scan3A_662 : i32 to index
        %get3A_721 = arith.constant 112 : index
        %get3A_722 = tpu.vector_load %arg6[%get3A_719, %get3A_720, %get3A_721] {strides = array<i32>} : memref<3x200x128xf32, #tpu.memory_space<vmem>>, vector<1x1x16xf32>,
        %get3A_723 = vector.shape_cast %get3A_722 : vector<1x1x16xf32> to vector<16xf32>
        %max3A_724 = arith.maximumf %scan3A_670, %get3A_723 : vector<16xf32>
        scf.yield %max3A, %max3A_682, %max3A_689, %max3A_696, %max3A_703, %max3A_710, %max3A_717, %max3A_724 : vector<16xf32>, vector<16xf32>, vector<16xf32>, vector<16xf32>, vector<16xf32>, vector<16xf32>, vector<16xf32>, vector<16xf32>
      }
      %scan3A_591 = arith.constant 200 : i32
      %swap3A_592 = arith.index_cast %add3A_569 : i32 to index
      %swap3A_593 = arith.constant 0 : index
      %swap3A_594 = tpu.vector_load %arg7[%swap3A_592, %swap3A_593] {strides = array<i32>} : memref<128x128xf32, #tpu.memory_space<vmem>>, vector<1x16xf32>,
      %swap3A_595 = vector.shape_cast %swap3A_594 : vector<1x16xf32> to vector<16xf32>
      %swap3A_596 = vector.shape_cast %scan3A_590#0 : vector<16xf32> to vector<1x16xf32>
      tpu.vector_store %arg7[%swap3A_592, %swap3A_593], %swap3A_596 {strides = array<i32>} : memref<128x128xf32, #tpu.memory_space<vmem>>, vector<1x16xf32>,
      %swap3A_597 = arith.index_cast %add3A_569 : i32 to index
      %swap3A_598 = arith.constant 16 : index
      %swap3A_599 = tpu.vector_load %arg7[%swap3A_597, %swap3A_598] {strides = array<i32>} : memref<128x128xf32, #tpu.memory_space<vmem>>, vector<1x16xf32>,
      %swap3A_600 = vector.shape_cast %swap3A_599 : vector<1x16xf32> to vector<16xf32>
      %swap3A_601 = vector.shape_cast %scan3A_590#1 : vector<16xf32> to vector<1x16xf32>
      tpu.vector_store %arg7[%swap3A_597, %swap3A_598], %swap3A_601 {strides = array<i32>} : memref<128x128xf32, #tpu.memory_space<vmem>>, vector<1x16xf32>,
      %swap3A_602 = arith.index_cast %add3A_569 : i32 to index
      %swap3A_603 = arith.constant 32 : index
      %swap3A_604 = tpu.vector_load %arg7[%swap3A_602, %swap3A_603] {strides = array<i32>} : memref<128x128xf32, #tpu.memory_space<vmem>>, vector<1x16xf32>,
      %swap3A_605 = vector.shape_cast %swap3A_604 : vector<1x16xf32> to vector<16xf32>
      %swap3A_606 = vector.shape_cast %scan3A_590#2 : vector<16xf32> to vector<1x16xf32>
      tpu.vector_store %arg7[%swap3A_602, %swap3A_603], %swap3A_606 {strides = array<i32>} : memref<128x128xf32, #tpu.memory_space<vmem>>, vector<1x16xf32>,
      %swap3A_607 = arith.index_cast %add3A_569 : i32 to index
      %swap3A_608 = arith.constant 48 : index
      %swap3A_609 = tpu.vector_load %arg7[%swap3A_607, %swap3A_608] {strides = array<i32>} : memref<128x128xf32, #tpu.memory_space<vmem>>, vector<1x16xf32>,
      %swap3A_610 = vector.shape_cast %swap3A_609 : vector<1x16xf32> to vector<16xf32>
      %swap3A_611 = vector.shape_cast %scan3A_590#3 : vector<16xf32> to vector<1x16xf32>
      tpu.vector_store %arg7[%swap3A_607, %swap3A_608], %swap3A_611 {strides = array<i32>} : memref<128x128xf32, #tpu.memory_space<vmem>>, vector<1x16xf32>,
      %swap3A_612 = arith.index_cast %add3A_569 : i32 to index
      %swap3A_613 = arith.constant 64 : index
      %swap3A_614 = tpu.vector_load %arg7[%swap3A_612, %swap3A_613] {strides = array<i32>} : memref<128x128xf32, #tpu.memory_space<vmem>>, vector<1x16xf32>,
      %swap3A_615 = vector.shape_cast %swap3A_614 : vector<1x16xf32> to vector<16xf32>
      %swap3A_616 = vector.shape_cast %scan3A_590#4 : vector<16xf32> to vector<1x16xf32>
      tpu.vector_store %arg7[%swap3A_612, %swap3A_613], %swap3A_616 {strides = array<i32>} : memref<128x128xf32, #tpu.memory_space<vmem>>, vector<1x16xf32>,
      %swap3A_617 = arith.index_cast %add3A_569 : i32 to index
      %swap3A_618 = arith.constant 80 : index
      %swap3A_619 = tpu.vector_load %arg7[%swap3A_617, %swap3A_618] {strides = array<i32>} : memref<128x128xf32, #tpu.memory_space<vmem>>, vector<1x16xf32>,
      %swap3A_620 = vector.shape_cast %swap3A_619 : vector<1x16xf32> to vector<16xf32>
      %swap3A_621 = vector.shape_cast %scan3A_590#5 : vector<16xf32> to vector<1x16xf32>
      tpu.vector_store %arg7[%swap3A_617, %swap3A_618], %swap3A_621 {strides = array<i32>} : memref<128x128xf32, #tpu.memory_space<vmem>>, vector<1x16xf32>,
      %swap3A_622 = arith.index_cast %add3A_569 : i32 to index
      %swap3A_623 = arith.constant 96 : index
      %swap3A_624 = tpu.vector_load %arg7[%swap3A_622, %swap3A_623] {strides = array<i32>} : memref<128x128xf32, #tpu.memory_space<vmem>>, vector<1x16xf32>,
      %swap3A_625 = vector.shape_cast %swap3A_624 : vector<1x16xf32> to vector<16xf32>
      %swap3A_626 = vector.shape_cast %scan3A_590#6 : vector<16xf32> to vector<1x16xf32>
      tpu.vector_store %arg7[%swap3A_622, %swap3A_623], %swap3A_626 {strides = array<i32>} : memref<128x128xf32, #tpu.memory_space<vmem>>, vector<1x16xf32>,
      %swap3A_627 = arith.index_cast %add3A_569 : i32 to index
      %swap3A_628 = arith.constant 112 : index
      %swap3A_629 = tpu.vector_load %arg7[%swap3A_627, %swap3A_628] {strides = array<i32>} : memref<128x128xf32, #tpu.memory_space<vmem>>, vector<1x16xf32>,
      %swap3A_630 = vector.shape_cast %swap3A_629 : vector<1x16xf32> to vector<16xf32>
      %swap3A_631 = vector.shape_cast %scan3A_590#7 : vector<16xf32> to vector<1x16xf32>
      tpu.vector_store %arg7[%swap3A_627, %swap3A_628], %swap3A_631 {strides = array<i32>} : memref<128x128xf32, #tpu.memory_space<vmem>>, vector<1x16xf32>,
      %add3A_632 = arith.constant 2 : i32
      %add3A_633 = arith.addi %mul3A_302, %add3A_632 : i32
      %add3A_634 = arith.constant 3 : i32
      %add3A_635 = arith.addi %add3A_633, %add3A_634 : i32
      %rem3A_636 = arith.constant 128 : i32
      %rem3A_637 = arith.remsi %add3A_635, %rem3A_636 : i32
      %dma_start3A_638 = arith.constant 0 : i32
      %dma_start3A_639 = arith.constant 2 : i32
      %dma_start3A_640 = arith.constant 0 : i32
      %dma_start3A_641 = arith.constant 0 : i32
      %dma_start3A_642 = tpu.memref_slice %arg6[%dma_start3A_639, %dma_start3A_640, %dma_start3A_641] : memref<3x200x128xf32, #tpu.memory_space<vmem>> -> memref<1x100x128xf32, #tpu.memory_space<vmem>>
      %dma_start3A_643 = tpu.memref_squeeze %dma_start3A_642 : memref<1x100x128xf32, #tpu.memory_space<vmem>> -> memref<100x128xf32, #tpu.memory_space<vmem>>
      %dma_start3A_644 = arith.constant 0 : i32
      %dma_start3A_645 = tpu.memref_slice %arg5[%rem3A_637, %dma_start3A_638, %dma_start3A_644] : memref<128x2x100xi32, #tpu.memory_space<vmem>> -> memref<1x1x100xi32, #tpu.memory_space<vmem>>
      %dma_start3A_646 = tpu.memref_squeeze %dma_start3A_645 : memref<1x1x100xi32, #tpu.memory_space<vmem>> -> memref<100xi32, #tpu.memory_space<vmem>>
      %dma_start3A_647 = arith.constant 0 : i32
      %dma_start3A_648 = arith.constant 0 : i32
      %dma_start3A_649 = tpu.memref_slice %arg3[%dma_start3A_647, %dma_start3A_648] : memref<100000x128xf32, #tpu.memory_space<hbm>> -> memref<100000x128xf32, #tpu.memory_space<hbm>>
      tpu.enqueue_indirect_dma source(%dma_start3A_649 : memref<100000x128xf32, #tpu.memory_space<hbm>>) target(%dma_start3A_643 : memref<100x128xf32, #tpu.memory_space<vmem>>) offsets(%dma_start3A_646 : memref<100xi32, #tpu.memory_space<vmem>>) semaphore(%arg10 : memref<!tpu.dma_semaphore, #tpu.memory_space<semaphore_mem>>)
      %dma_start3A_650 = arith.constant 1 : i32
      %dma_start3A_651 = arith.constant 2 : i32
      %dma_start3A_652 = arith.constant 100 : i32
      %dma_start3A_653 = arith.constant 0 : i32
      %dma_start3A_654 = tpu.memref_slice %arg6[%dma_start3A_651, %dma_start3A_652, %dma_start3A_653] : memref<3x200x128xf32, #tpu.memory_space<vmem>> -> memref<1x100x128xf32, #tpu.memory_space<vmem>>
      %dma_start3A_655 = tpu.memref_squeeze %dma_start3A_654 : memref<1x100x128xf32, #tpu.memory_space<vmem>> -> memref<100x128xf32, #tpu.memory_space<vmem>>
      %dma_start3A_656 = arith.constant 0 : i32
      %dma_start3A_657 = tpu.memref_slice %arg5[%rem3A_637, %dma_start3A_650, %dma_start3A_656] : memref<128x2x100xi32, #tpu.memory_space<vmem>> -> memref<1x1x100xi32, #tpu.memory_space<vmem>>
      %dma_start3A_658 = tpu.memref_squeeze %dma_start3A_657 : memref<1x1x100xi32, #tpu.memory_space<vmem>> -> memref<100xi32, #tpu.memory_space<vmem>>
      %dma_start3A_659 = arith.constant 0 : i32
      %dma_start3A_660 = arith.constant 0 : i32
      %dma_start3A_661 = tpu.memref_slice %arg3[%dma_start3A_659, %dma_start3A_660] : memref<100000x128xf32, #tpu.memory_space<hbm>> -> memref<100000x128xf32, #tpu.memory_space<hbm>>
      tpu.enqueue_indirect_dma source(%dma_start3A_661 : memref<100000x128xf32, #tpu.memory_space<hbm>>) target(%dma_start3A_655 : memref<100x128xf32, #tpu.memory_space<vmem>>) offsets(%dma_start3A_658 : memref<100xi32, #tpu.memory_space<vmem>>) semaphore(%arg10 : memref<!tpu.dma_semaphore, #tpu.memory_space<semaphore_mem>>)
    }
    %scan3A_84 = arith.constant 42 : i32
    %dma_wait3A = arith.constant 0 : i32
    %dma_wait3A_85 = arith.constant 0 : i32
    %dma_wait3A_86 = arith.constant 0 : i32
    %dma_wait3A_87 = arith.constant 0 : i32
    %dma_wait3A_88 = arith.constant 0 : i32
    %dma_wait3A_89 = tpu.memref_slice %arg6[%dma_wait3A_86, %dma_wait3A_87, %dma_wait3A_88] : memref<3x200x128xf32, #tpu.memory_space<vmem>> -> memref<1x100x128xf32, #tpu.memory_space<vmem>>
    %dma_wait3A_90 = tpu.memref_squeeze %dma_wait3A_89 : memref<1x100x128xf32, #tpu.memory_space<vmem>> -> memref<100x128xf32, #tpu.memory_space<vmem>>
    %dma_wait3A_91 = arith.constant 0 : i32
    %dma_wait3A_92 = tpu.memref_slice %arg5[%dma_wait3A, %dma_wait3A_85, %dma_wait3A_91] : memref<128x2x100xi32, #tpu.memory_space<vmem>> -> memref<1x1x100xi32, #tpu.memory_space<vmem>>
    %dma_wait3A_93 = tpu.memref_squeeze %dma_wait3A_92 : memref<1x1x100xi32, #tpu.memory_space<vmem>> -> memref<100xi32, #tpu.memory_space<vmem>>
    %dma_wait3A_94 = arith.constant 0 : i32
    %dma_wait3A_95 = arith.constant 0 : i32
    %dma_wait3A_96 = tpu.memref_slice %arg3[%dma_wait3A_94, %dma_wait3A_95] : memref<100000x128xf32, #tpu.memory_space<hbm>> -> memref<100000x128xf32, #tpu.memory_space<hbm>>
    tpu.wait_indirect_dma semaphore(%arg8 : memref<!tpu.dma_semaphore, #tpu.memory_space<semaphore_mem>>) src(%dma_wait3A_96 : memref<100000x128xf32, #tpu.memory_space<hbm>>) dst(%dma_wait3A_90 : memref<100x128xf32, #tpu.memory_space<vmem>>)
    %dma_wait3A_97 = arith.constant 0 : i32
    %dma_wait3A_98 = arith.constant 1 : i32
    %dma_wait3A_99 = arith.constant 0 : i32
    %dma_wait3A_100 = arith.constant 100 : i32
    %dma_wait3A_101 = arith.constant 0 : i32
    %dma_wait3A_102 = tpu.memref_slice %arg6[%dma_wait3A_99, %dma_wait3A_100, %dma_wait3A_101] : memref<3x200x128xf32, #tpu.memory_space<vmem>> -> memref<1x100x128xf32, #tpu.memory_space<vmem>>
    %dma_wait3A_103 = tpu.memref_squeeze %dma_wait3A_102 : memref<1x100x128xf32, #tpu.memory_space<vmem>> -> memref<100x128xf32, #tpu.memory_space<vmem>>
    %dma_wait3A_104 = arith.constant 0 : i32
    %dma_wait3A_105 = tpu.memref_slice %arg5[%dma_wait3A_97, %dma_wait3A_98, %dma_wait3A_104] : memref<128x2x100xi32, #tpu.memory_space<vmem>> -> memref<1x1x100xi32, #tpu.memory_space<vmem>>
    %dma_wait3A_106 = tpu.memref_squeeze %dma_wait3A_105 : memref<1x1x100xi32, #tpu.memory_space<vmem>> -> memref<100xi32, #tpu.memory_space<vmem>>
    %dma_wait3A_107 = arith.constant 0 : i32
    %dma_wait3A_108 = arith.constant 0 : i32
    %dma_wait3A_109 = tpu.memref_slice %arg3[%dma_wait3A_107, %dma_wait3A_108] : memref<100000x128xf32, #tpu.memory_space<hbm>> -> memref<100000x128xf32, #tpu.memory_space<hbm>>
    tpu.wait_indirect_dma semaphore(%arg8 : memref<!tpu.dma_semaphore, #tpu.memory_space<semaphore_mem>>) src(%dma_wait3A_109 : memref<100000x128xf32, #tpu.memory_space<hbm>>) dst(%dma_wait3A_103 : memref<100x128xf32, #tpu.memory_space<vmem>>)
    %broadcast_in_dim3A = arith.constant 0xFF800000 : f32
    %broadcast_in_dim3A_110 = vector.broadcast %broadcast_in_dim3A : f32 to vector<16xf32>
    %broadcast_in_dim3A_111 = arith.constant 0xFF800000 : f32
    %broadcast_in_dim3A_112 = vector.broadcast %broadcast_in_dim3A_111 : f32 to vector<16xf32>
    %broadcast_in_dim3A_113 = arith.constant 0xFF800000 : f32
    %broadcast_in_dim3A_114 = vector.broadcast %broadcast_in_dim3A_113 : f32 to vector<16xf32>
    %broadcast_in_dim3A_115 = arith.constant 0xFF800000 : f32
    %broadcast_in_dim3A_116 = vector.broadcast %broadcast_in_dim3A_115 : f32 to vector<16xf32>
    %broadcast_in_dim3A_117 = arith.constant 0xFF800000 : f32
    %broadcast_in_dim3A_118 = vector.broadcast %broadcast_in_dim3A_117 : f32 to vector<16xf32>
    %broadcast_in_dim3A_119 = arith.constant 0xFF800000 : f32
    %broadcast_in_dim3A_120 = vector.broadcast %broadcast_in_dim3A_119 : f32 to vector<16xf32>
    %broadcast_in_dim3A_121 = arith.constant 0xFF800000 : f32
    %broadcast_in_dim3A_122 = vector.broadcast %broadcast_in_dim3A_121 : f32 to vector<16xf32>
    %broadcast_in_dim3A_123 = arith.constant 0xFF800000 : f32
    %broadcast_in_dim3A_124 = vector.broadcast %broadcast_in_dim3A_123 : f32 to vector<16xf32>
    %scan3A_125 = arith.constant 0 : i32
    %scan3A_126 = arith.constant 200 : i32
    %scan3A_127 = arith.addi %scan3A_125, %scan3A_126 : i32
    %scan3A_128 = arith.constant 1 : i32
    %scan3A_129:8 = scf.for %scan3A_300 = %scan3A_125 to %scan3A_127 step %scan3A_128 iter_args(%scan3A_301 = %broadcast_in_dim3A_110, %scan3A_302 = %broadcast_in_dim3A_112, %scan3A_303 = %broadcast_in_dim3A_114, %scan3A_304 = %broadcast_in_dim3A_116, %scan3A_305 = %broadcast_in_dim3A_118, %scan3A_306 = %broadcast_in_dim3A_120, %scan3A_307 = %broadcast_in_dim3A_122, %scan3A_308 = %broadcast_in_dim3A_124) -> (vector<16xf32>, vector<16xf32>, vector<16xf32>, vector<16xf32>, vector<16xf32>, vector<16xf32>, vector<16xf32>, vector<16xf32>)  : i32 {
      %get3A = arith.constant 0 : i32
      %get3A_309 = arith.index_cast %get3A : i32 to index
      %get3A_310 = arith.index_cast %scan3A_300 : i32 to index
      %get3A_311 = arith.constant 0 : index
      %get3A_312 = tpu.vector_load %arg6[%get3A_309, %get3A_310, %get3A_311] {strides = array<i32>} : memref<3x200x128xf32, #tpu.memory_space<vmem>>, vector<1x1x16xf32>,
      %get3A_313 = vector.shape_cast %get3A_312 : vector<1x1x16xf32> to vector<16xf32>
      %max3A = arith.maximumf %scan3A_301, %get3A_313 : vector<16xf32>
      %get3A_314 = arith.constant 0 : i32
      %get3A_315 = arith.index_cast %get3A_314 : i32 to index
      %get3A_316 = arith.index_cast %scan3A_300 : i32 to index
      %get3A_317 = arith.constant 16 : index
      %get3A_318 = tpu.vector_load %arg6[%get3A_315, %get3A_316, %get3A_317] {strides = array<i32>} : memref<3x200x128xf32, #tpu.memory_space<vmem>>, vector<1x1x16xf32>,
      %get3A_319 = vector.shape_cast %get3A_318 : vector<1x1x16xf32> to vector<16xf32>
      %max3A_320 = arith.maximumf %scan3A_302, %get3A_319 : vector<16xf32>
      %get3A_321 = arith.constant 0 : i32
      %get3A_322 = arith.index_cast %get3A_321 : i32 to index
      %get3A_323 = arith.index_cast %scan3A_300 : i32 to index
      %get3A_324 = arith.constant 32 : index
      %get3A_325 = tpu.vector_load %arg6[%get3A_322, %get3A_323, %get3A_324] {strides = array<i32>} : memref<3x200x128xf32, #tpu.memory_space<vmem>>, vector<1x1x16xf32>,
      %get3A_326 = vector.shape_cast %get3A_325 : vector<1x1x16xf32> to vector<16xf32>
      %max3A_327 = arith.maximumf %scan3A_303, %get3A_326 : vector<16xf32>
      %get3A_328 = arith.constant 0 : i32
      %get3A_329 = arith.index_cast %get3A_328 : i32 to index
      %get3A_330 = arith.index_cast %scan3A_300 : i32 to index
      %get3A_331 = arith.constant 48 : index
      %get3A_332 = tpu.vector_load %arg6[%get3A_329, %get3A_330, %get3A_331] {strides = array<i32>} : memref<3x200x128xf32, #tpu.memory_space<vmem>>, vector<1x1x16xf32>,
      %get3A_333 = vector.shape_cast %get3A_332 : vector<1x1x16xf32> to vector<16xf32>
      %max3A_334 = arith.maximumf %scan3A_304, %get3A_333 : vector<16xf32>
      %get3A_335 = arith.constant 0 : i32
      %get3A_336 = arith.index_cast %get3A_335 : i32 to index
      %get3A_337 = arith.index_cast %scan3A_300 : i32 to index
      %get3A_338 = arith.constant 64 : index
      %get3A_339 = tpu.vector_load %arg6[%get3A_336, %get3A_337, %get3A_338] {strides = array<i32>} : memref<3x200x128xf32, #tpu.memory_space<vmem>>, vector<1x1x16xf32>,
      %get3A_340 = vector.shape_cast %get3A_339 : vector<1x1x16xf32> to vector<16xf32>
      %max3A_341 = arith.maximumf %scan3A_305, %get3A_340 : vector<16xf32>
      %get3A_342 = arith.constant 0 : i32
      %get3A_343 = arith.index_cast %get3A_342 : i32 to index
      %get3A_344 = arith.index_cast %scan3A_300 : i32 to index
      %get3A_345 = arith.constant 80 : index
      %get3A_346 = tpu.vector_load %arg6[%get3A_343, %get3A_344, %get3A_345] {strides = array<i32>} : memref<3x200x128xf32, #tpu.memory_space<vmem>>, vector<1x1x16xf32>,
      %get3A_347 = vector.shape_cast %get3A_346 : vector<1x1x16xf32> to vector<16xf32>
      %max3A_348 = arith.maximumf %scan3A_306, %get3A_347 : vector<16xf32>
      %get3A_349 = arith.constant 0 : i32
      %get3A_350 = arith.index_cast %get3A_349 : i32 to index
      %get3A_351 = arith.index_cast %scan3A_300 : i32 to index
      %get3A_352 = arith.constant 96 : index
      %get3A_353 = tpu.vector_load %arg6[%get3A_350, %get3A_351, %get3A_352] {strides = array<i32>} : memref<3x200x128xf32, #tpu.memory_space<vmem>>, vector<1x1x16xf32>,
      %get3A_354 = vector.shape_cast %get3A_353 : vector<1x1x16xf32> to vector<16xf32>
      %max3A_355 = arith.maximumf %scan3A_307, %get3A_354 : vector<16xf32>
      %get3A_356 = arith.constant 0 : i32
      %get3A_357 = arith.index_cast %get3A_356 : i32 to index
      %get3A_358 = arith.index_cast %scan3A_300 : i32 to index
      %get3A_359 = arith.constant 112 : index
      %get3A_360 = tpu.vector_load %arg6[%get3A_357, %get3A_358, %get3A_359] {strides = array<i32>} : memref<3x200x128xf32, #tpu.memory_space<vmem>>, vector<1x1x16xf32>,
      %get3A_361 = vector.shape_cast %get3A_360 : vector<1x1x16xf32> to vector<16xf32>
      %max3A_362 = arith.maximumf %scan3A_308, %get3A_361 : vector<16xf32>
      scf.yield %max3A, %max3A_320, %max3A_327, %max3A_334, %max3A_341, %max3A_348, %max3A_355, %max3A_362 : vector<16xf32>, vector<16xf32>, vector<16xf32>, vector<16xf32>, vector<16xf32>, vector<16xf32>, vector<16xf32>, vector<16xf32>
    }
    %scan3A_130 = arith.constant 200 : i32
    %swap3A = arith.constant 126 : i32
    %swap3A_131 = arith.index_cast %swap3A : i32 to index
    %swap3A_132 = arith.constant 0 : index
    %swap3A_133 = tpu.vector_load %arg7[%swap3A_131, %swap3A_132] {strides = array<i32>} : memref<128x128xf32, #tpu.memory_space<vmem>>, vector<1x16xf32>,
    %swap3A_134 = vector.shape_cast %swap3A_133 : vector<1x16xf32> to vector<16xf32>
    %swap3A_135 = vector.shape_cast %scan3A_129#0 : vector<16xf32> to vector<1x16xf32>
    tpu.vector_store %arg7[%swap3A_131, %swap3A_132], %swap3A_135 {strides = array<i32>} : memref<128x128xf32, #tpu.memory_space<vmem>>, vector<1x16xf32>,
    %swap3A_136 = arith.constant 126 : i32
    %swap3A_137 = arith.index_cast %swap3A_136 : i32 to index
    %swap3A_138 = arith.constant 16 : index
    %swap3A_139 = tpu.vector_load %arg7[%swap3A_137, %swap3A_138] {strides = array<i32>} : memref<128x128xf32, #tpu.memory_space<vmem>>, vector<1x16xf32>,
    %swap3A_140 = vector.shape_cast %swap3A_139 : vector<1x16xf32> to vector<16xf32>
    %swap3A_141 = vector.shape_cast %scan3A_129#1 : vector<16xf32> to vector<1x16xf32>
    tpu.vector_store %arg7[%swap3A_137, %swap3A_138], %swap3A_141 {strides = array<i32>} : memref<128x128xf32, #tpu.memory_space<vmem>>, vector<1x16xf32>,
    %swap3A_142 = arith.constant 126 : i32
    %swap3A_143 = arith.index_cast %swap3A_142 : i32 to index
    %swap3A_144 = arith.constant 32 : index
    %swap3A_145 = tpu.vector_load %arg7[%swap3A_143, %swap3A_144] {strides = array<i32>} : memref<128x128xf32, #tpu.memory_space<vmem>>, vector<1x16xf32>,
    %swap3A_146 = vector.shape_cast %swap3A_145 : vector<1x16xf32> to vector<16xf32>
    %swap3A_147 = vector.shape_cast %scan3A_129#2 : vector<16xf32> to vector<1x16xf32>
    tpu.vector_store %arg7[%swap3A_143, %swap3A_144], %swap3A_147 {strides = array<i32>} : memref<128x128xf32, #tpu.memory_space<vmem>>, vector<1x16xf32>,
    %swap3A_148 = arith.constant 126 : i32
    %swap3A_149 = arith.index_cast %swap3A_148 : i32 to index
    %swap3A_150 = arith.constant 48 : index
    %swap3A_151 = tpu.vector_load %arg7[%swap3A_149, %swap3A_150] {strides = array<i32>} : memref<128x128xf32, #tpu.memory_space<vmem>>, vector<1x16xf32>,
    %swap3A_152 = vector.shape_cast %swap3A_151 : vector<1x16xf32> to vector<16xf32>
    %swap3A_153 = vector.shape_cast %scan3A_129#3 : vector<16xf32> to vector<1x16xf32>
    tpu.vector_store %arg7[%swap3A_149, %swap3A_150], %swap3A_153 {strides = array<i32>} : memref<128x128xf32, #tpu.memory_space<vmem>>, vector<1x16xf32>,
    %swap3A_154 = arith.constant 126 : i32
    %swap3A_155 = arith.index_cast %swap3A_154 : i32 to index
    %swap3A_156 = arith.constant 64 : index
    %swap3A_157 = tpu.vector_load %arg7[%swap3A_155, %swap3A_156] {strides = array<i32>} : memref<128x128xf32, #tpu.memory_space<vmem>>, vector<1x16xf32>,
    %swap3A_158 = vector.shape_cast %swap3A_157 : vector<1x16xf32> to vector<16xf32>
    %swap3A_159 = vector.shape_cast %scan3A_129#4 : vector<16xf32> to vector<1x16xf32>
    tpu.vector_store %arg7[%swap3A_155, %swap3A_156], %swap3A_159 {strides = array<i32>} : memref<128x128xf32, #tpu.memory_space<vmem>>, vector<1x16xf32>,
    %swap3A_160 = arith.constant 126 : i32
    %swap3A_161 = arith.index_cast %swap3A_160 : i32 to index
    %swap3A_162 = arith.constant 80 : index
    %swap3A_163 = tpu.vector_load %arg7[%swap3A_161, %swap3A_162] {strides = array<i32>} : memref<128x128xf32, #tpu.memory_space<vmem>>, vector<1x16xf32>,
    %swap3A_164 = vector.shape_cast %swap3A_163 : vector<1x16xf32> to vector<16xf32>
    %swap3A_165 = vector.shape_cast %scan3A_129#5 : vector<16xf32> to vector<1x16xf32>
    tpu.vector_store %arg7[%swap3A_161, %swap3A_162], %swap3A_165 {strides = array<i32>} : memref<128x128xf32, #tpu.memory_space<vmem>>, vector<1x16xf32>,
    %swap3A_166 = arith.constant 126 : i32
    %swap3A_167 = arith.index_cast %swap3A_166 : i32 to index
    %swap3A_168 = arith.constant 96 : index
    %swap3A_169 = tpu.vector_load %arg7[%swap3A_167, %swap3A_168] {strides = array<i32>} : memref<128x128xf32, #tpu.memory_space<vmem>>, vector<1x16xf32>,
    %swap3A_170 = vector.shape_cast %swap3A_169 : vector<1x16xf32> to vector<16xf32>
    %swap3A_171 = vector.shape_cast %scan3A_129#6 : vector<16xf32> to vector<1x16xf32>
    tpu.vector_store %arg7[%swap3A_167, %swap3A_168], %swap3A_171 {strides = array<i32>} : memref<128x128xf32, #tpu.memory_space<vmem>>, vector<1x16xf32>,
    %swap3A_172 = arith.constant 126 : i32
    %swap3A_173 = arith.index_cast %swap3A_172 : i32 to index
    %swap3A_174 = arith.constant 112 : index
    %swap3A_175 = tpu.vector_load %arg7[%swap3A_173, %swap3A_174] {strides = array<i32>} : memref<128x128xf32, #tpu.memory_space<vmem>>, vector<1x16xf32>,
    %swap3A_176 = vector.shape_cast %swap3A_175 : vector<1x16xf32> to vector<16xf32>
    %swap3A_177 = vector.shape_cast %scan3A_129#7 : vector<16xf32> to vector<1x16xf32>
    tpu.vector_store %arg7[%swap3A_173, %swap3A_174], %swap3A_177 {strides = array<i32>} : memref<128x128xf32, #tpu.memory_space<vmem>>, vector<1x16xf32>,
    %dma_wait3A_178 = arith.constant 0 : i32
    %dma_wait3A_179 = arith.constant 0 : i32
    %dma_wait3A_180 = arith.constant 1 : i32
    %dma_wait3A_181 = arith.constant 0 : i32
    %dma_wait3A_182 = arith.constant 0 : i32
    %dma_wait3A_183 = tpu.memref_slice %arg6[%dma_wait3A_180, %dma_wait3A_181, %dma_wait3A_182] : memref<3x200x128xf32, #tpu.memory_space<vmem>> -> memref<1x100x128xf32, #tpu.memory_space<vmem>>
    %dma_wait3A_184 = tpu.memref_squeeze %dma_wait3A_183 : memref<1x100x128xf32, #tpu.memory_space<vmem>> -> memref<100x128xf32, #tpu.memory_space<vmem>>
    %dma_wait3A_185 = arith.constant 0 : i32
    %dma_wait3A_186 = tpu.memref_slice %arg5[%dma_wait3A_178, %dma_wait3A_179, %dma_wait3A_185] : memref<128x2x100xi32, #tpu.memory_space<vmem>> -> memref<1x1x100xi32, #tpu.memory_space<vmem>>
    %dma_wait3A_187 = tpu.memref_squeeze %dma_wait3A_186 : memref<1x1x100xi32, #tpu.memory_space<vmem>> -> memref<100xi32, #tpu.memory_space<vmem>>
    %dma_wait3A_188 = arith.constant 0 : i32
    %dma_wait3A_189 = arith.constant 0 : i32
    %dma_wait3A_190 = tpu.memref_slice %arg3[%dma_wait3A_188, %dma_wait3A_189] : memref<100000x128xf32, #tpu.memory_space<hbm>> -> memref<100000x128xf32, #tpu.memory_space<hbm>>
    tpu.wait_indirect_dma semaphore(%arg9 : memref<!tpu.dma_semaphore, #tpu.memory_space<semaphore_mem>>) src(%dma_wait3A_190 : memref<100000x128xf32, #tpu.memory_space<hbm>>) dst(%dma_wait3A_184 : memref<100x128xf32, #tpu.memory_space<vmem>>)
    %dma_wait3A_191 = arith.constant 0 : i32
    %dma_wait3A_192 = arith.constant 1 : i32
    %dma_wait3A_193 = arith.constant 1 : i32
    %dma_wait3A_194 = arith.constant 100 : i32
    %dma_wait3A_195 = arith.constant 0 : i32
    %dma_wait3A_196 = tpu.memref_slice %arg6[%dma_wait3A_193, %dma_wait3A_194, %dma_wait3A_195] : memref<3x200x128xf32, #tpu.memory_space<vmem>> -> memref<1x100x128xf32, #tpu.memory_space<vmem>>
    %dma_wait3A_197 = tpu.memref_squeeze %dma_wait3A_196 : memref<1x100x128xf32, #tpu.memory_space<vmem>> -> memref<100x128xf32, #tpu.memory_space<vmem>>
    %dma_wait3A_198 = arith.constant 0 : i32
    %dma_wait3A_199 = tpu.memref_slice %arg5[%dma_wait3A_191, %dma_wait3A_192, %dma_wait3A_198] : memref<128x2x100xi32, #tpu.memory_space<vmem>> -> memref<1x1x100xi32, #tpu.memory_space<vmem>>
    %dma_wait3A_200 = tpu.memref_squeeze %dma_wait3A_199 : memref<1x1x100xi32, #tpu.memory_space<vmem>> -> memref<100xi32, #tpu.memory_space<vmem>>
    %dma_wait3A_201 = arith.constant 0 : i32
    %dma_wait3A_202 = arith.constant 0 : i32
    %dma_wait3A_203 = tpu.memref_slice %arg3[%dma_wait3A_201, %dma_wait3A_202] : memref<100000x128xf32, #tpu.memory_space<hbm>> -> memref<100000x128xf32, #tpu.memory_space<hbm>>
    tpu.wait_indirect_dma semaphore(%arg9 : memref<!tpu.dma_semaphore, #tpu.memory_space<semaphore_mem>>) src(%dma_wait3A_203 : memref<100000x128xf32, #tpu.memory_space<hbm>>) dst(%dma_wait3A_197 : memref<100x128xf32, #tpu.memory_space<vmem>>)
    %broadcast_in_dim3A_204 = arith.constant 0xFF800000 : f32
    %broadcast_in_dim3A_205 = vector.broadcast %broadcast_in_dim3A_204 : f32 to vector<16xf32>
    %broadcast_in_dim3A_206 = arith.constant 0xFF800000 : f32
    %broadcast_in_dim3A_207 = vector.broadcast %broadcast_in_dim3A_206 : f32 to vector<16xf32>
    %broadcast_in_dim3A_208 = arith.constant 0xFF800000 : f32
    %broadcast_in_dim3A_209 = vector.broadcast %broadcast_in_dim3A_208 : f32 to vector<16xf32>
    %broadcast_in_dim3A_210 = arith.constant 0xFF800000 : f32
    %broadcast_in_dim3A_211 = vector.broadcast %broadcast_in_dim3A_210 : f32 to vector<16xf32>
    %broadcast_in_dim3A_212 = arith.constant 0xFF800000 : f32
    %broadcast_in_dim3A_213 = vector.broadcast %broadcast_in_dim3A_212 : f32 to vector<16xf32>
    %broadcast_in_dim3A_214 = arith.constant 0xFF800000 : f32
    %broadcast_in_dim3A_215 = vector.broadcast %broadcast_in_dim3A_214 : f32 to vector<16xf32>
    %broadcast_in_dim3A_216 = arith.constant 0xFF800000 : f32
    %broadcast_in_dim3A_217 = vector.broadcast %broadcast_in_dim3A_216 : f32 to vector<16xf32>
    %broadcast_in_dim3A_218 = arith.constant 0xFF800000 : f32
    %broadcast_in_dim3A_219 = vector.broadcast %broadcast_in_dim3A_218 : f32 to vector<16xf32>
    %scan3A_220 = arith.constant 0 : i32
    %scan3A_221 = arith.constant 200 : i32
    %scan3A_222 = arith.addi %scan3A_220, %scan3A_221 : i32
    %scan3A_223 = arith.constant 1 : i32
    %scan3A_224:8 = scf.for %scan3A_300 = %scan3A_220 to %scan3A_222 step %scan3A_223 iter_args(%scan3A_301 = %broadcast_in_dim3A_205, %scan3A_302 = %broadcast_in_dim3A_207, %scan3A_303 = %broadcast_in_dim3A_209, %scan3A_304 = %broadcast_in_dim3A_211, %scan3A_305 = %broadcast_in_dim3A_213, %scan3A_306 = %broadcast_in_dim3A_215, %scan3A_307 = %broadcast_in_dim3A_217, %scan3A_308 = %broadcast_in_dim3A_219) -> (vector<16xf32>, vector<16xf32>, vector<16xf32>, vector<16xf32>, vector<16xf32>, vector<16xf32>, vector<16xf32>, vector<16xf32>)  : i32 {
      %get3A = arith.constant 1 : i32
      %get3A_309 = arith.index_cast %get3A : i32 to index
      %get3A_310 = arith.index_cast %scan3A_300 : i32 to index
      %get3A_311 = arith.constant 0 : index
      %get3A_312 = tpu.vector_load %arg6[%get3A_309, %get3A_310, %get3A_311] {strides = array<i32>} : memref<3x200x128xf32, #tpu.memory_space<vmem>>, vector<1x1x16xf32>,
      %get3A_313 = vector.shape_cast %get3A_312 : vector<1x1x16xf32> to vector<16xf32>
      %max3A = arith.maximumf %scan3A_301, %get3A_313 : vector<16xf32>
      %get3A_314 = arith.constant 1 : i32
      %get3A_315 = arith.index_cast %get3A_314 : i32 to index
      %get3A_316 = arith.index_cast %scan3A_300 : i32 to index
      %get3A_317 = arith.constant 16 : index
      %get3A_318 = tpu.vector_load %arg6[%get3A_315, %get3A_316, %get3A_317] {strides = array<i32>} : memref<3x200x128xf32, #tpu.memory_space<vmem>>, vector<1x1x16xf32>,
      %get3A_319 = vector.shape_cast %get3A_318 : vector<1x1x16xf32> to vector<16xf32>
      %max3A_320 = arith.maximumf %scan3A_302, %get3A_319 : vector<16xf32>
      %get3A_321 = arith.constant 1 : i32
      %get3A_322 = arith.index_cast %get3A_321 : i32 to index
      %get3A_323 = arith.index_cast %scan3A_300 : i32 to index
      %get3A_324 = arith.constant 32 : index
      %get3A_325 = tpu.vector_load %arg6[%get3A_322, %get3A_323, %get3A_324] {strides = array<i32>} : memref<3x200x128xf32, #tpu.memory_space<vmem>>, vector<1x1x16xf32>,
      %get3A_326 = vector.shape_cast %get3A_325 : vector<1x1x16xf32> to vector<16xf32>
      %max3A_327 = arith.maximumf %scan3A_303, %get3A_326 : vector<16xf32>
      %get3A_328 = arith.constant 1 : i32
      %get3A_329 = arith.index_cast %get3A_328 : i32 to index
      %get3A_330 = arith.index_cast %scan3A_300 : i32 to index
      %get3A_331 = arith.constant 48 : index
      %get3A_332 = tpu.vector_load %arg6[%get3A_329, %get3A_330, %get3A_331] {strides = array<i32>} : memref<3x200x128xf32, #tpu.memory_space<vmem>>, vector<1x1x16xf32>,
      %get3A_333 = vector.shape_cast %get3A_332 : vector<1x1x16xf32> to vector<16xf32>
      %max3A_334 = arith.maximumf %scan3A_304, %get3A_333 : vector<16xf32>
      %get3A_335 = arith.constant 1 : i32
      %get3A_336 = arith.index_cast %get3A_335 : i32 to index
      %get3A_337 = arith.index_cast %scan3A_300 : i32 to index
      %get3A_338 = arith.constant 64 : index
      %get3A_339 = tpu.vector_load %arg6[%get3A_336, %get3A_337, %get3A_338] {strides = array<i32>} : memref<3x200x128xf32, #tpu.memory_space<vmem>>, vector<1x1x16xf32>,
      %get3A_340 = vector.shape_cast %get3A_339 : vector<1x1x16xf32> to vector<16xf32>
      %max3A_341 = arith.maximumf %scan3A_305, %get3A_340 : vector<16xf32>
      %get3A_342 = arith.constant 1 : i32
      %get3A_343 = arith.index_cast %get3A_342 : i32 to index
      %get3A_344 = arith.index_cast %scan3A_300 : i32 to index
      %get3A_345 = arith.constant 80 : index
      %get3A_346 = tpu.vector_load %arg6[%get3A_343, %get3A_344, %get3A_345] {strides = array<i32>} : memref<3x200x128xf32, #tpu.memory_space<vmem>>, vector<1x1x16xf32>,
      %get3A_347 = vector.shape_cast %get3A_346 : vector<1x1x16xf32> to vector<16xf32>
      %max3A_348 = arith.maximumf %scan3A_306, %get3A_347 : vector<16xf32>
      %get3A_349 = arith.constant 1 : i32
      %get3A_350 = arith.index_cast %get3A_349 : i32 to index
      %get3A_351 = arith.index_cast %scan3A_300 : i32 to index
      %get3A_352 = arith.constant 96 : index
      %get3A_353 = tpu.vector_load %arg6[%get3A_350, %get3A_351, %get3A_352] {strides = array<i32>} : memref<3x200x128xf32, #tpu.memory_space<vmem>>, vector<1x1x16xf32>,
      %get3A_354 = vector.shape_cast %get3A_353 : vector<1x1x16xf32> to vector<16xf32>
      %max3A_355 = arith.maximumf %scan3A_307, %get3A_354 : vector<16xf32>
      %get3A_356 = arith.constant 1 : i32
      %get3A_357 = arith.index_cast %get3A_356 : i32 to index
      %get3A_358 = arith.index_cast %scan3A_300 : i32 to index
      %get3A_359 = arith.constant 112 : index
      %get3A_360 = tpu.vector_load %arg6[%get3A_357, %get3A_358, %get3A_359] {strides = array<i32>} : memref<3x200x128xf32, #tpu.memory_space<vmem>>, vector<1x1x16xf32>,
      %get3A_361 = vector.shape_cast %get3A_360 : vector<1x1x16xf32> to vector<16xf32>
      %max3A_362 = arith.maximumf %scan3A_308, %get3A_361 : vector<16xf32>
      scf.yield %max3A, %max3A_320, %max3A_327, %max3A_334, %max3A_341, %max3A_348, %max3A_355, %max3A_362 : vector<16xf32>, vector<16xf32>, vector<16xf32>, vector<16xf32>, vector<16xf32>, vector<16xf32>, vector<16xf32>, vector<16xf32>
    }
    %scan3A_225 = arith.constant 200 : i32
    %swap3A_226 = arith.constant 127 : i32
    %swap3A_227 = arith.index_cast %swap3A_226 : i32 to index
    %swap3A_228 = arith.constant 0 : index
    %swap3A_229 = tpu.vector_load %arg7[%swap3A_227, %swap3A_228] {strides = array<i32>} : memref<128x128xf32, #tpu.memory_space<vmem>>, vector<1x16xf32>,
    %swap3A_230 = vector.shape_cast %swap3A_229 : vector<1x16xf32> to vector<16xf32>
    %swap3A_231 = vector.shape_cast %scan3A_224#0 : vector<16xf32> to vector<1x16xf32>
    tpu.vector_store %arg7[%swap3A_227, %swap3A_228], %swap3A_231 {strides = array<i32>} : memref<128x128xf32, #tpu.memory_space<vmem>>, vector<1x16xf32>,
    %swap3A_232 = arith.constant 127 : i32
    %swap3A_233 = arith.index_cast %swap3A_232 : i32 to index
    %swap3A_234 = arith.constant 16 : index
    %swap3A_235 = tpu.vector_load %arg7[%swap3A_233, %swap3A_234] {strides = array<i32>} : memref<128x128xf32, #tpu.memory_space<vmem>>, vector<1x16xf32>,
    %swap3A_236 = vector.shape_cast %swap3A_235 : vector<1x16xf32> to vector<16xf32>
    %swap3A_237 = vector.shape_cast %scan3A_224#1 : vector<16xf32> to vector<1x16xf32>
    tpu.vector_store %arg7[%swap3A_233, %swap3A_234], %swap3A_237 {strides = array<i32>} : memref<128x128xf32, #tpu.memory_space<vmem>>, vector<1x16xf32>,
    %swap3A_238 = arith.constant 127 : i32
    %swap3A_239 = arith.index_cast %swap3A_238 : i32 to index
    %swap3A_240 = arith.constant 32 : index
    %swap3A_241 = tpu.vector_load %arg7[%swap3A_239, %swap3A_240] {strides = array<i32>} : memref<128x128xf32, #tpu.memory_space<vmem>>, vector<1x16xf32>,
    %swap3A_242 = vector.shape_cast %swap3A_241 : vector<1x16xf32> to vector<16xf32>
    %swap3A_243 = vector.shape_cast %scan3A_224#2 : vector<16xf32> to vector<1x16xf32>
    tpu.vector_store %arg7[%swap3A_239, %swap3A_240], %swap3A_243 {strides = array<i32>} : memref<128x128xf32, #tpu.memory_space<vmem>>, vector<1x16xf32>,
    %swap3A_244 = arith.constant 127 : i32
    %swap3A_245 = arith.index_cast %swap3A_244 : i32 to index
    %swap3A_246 = arith.constant 48 : index
    %swap3A_247 = tpu.vector_load %arg7[%swap3A_245, %swap3A_246] {strides = array<i32>} : memref<128x128xf32, #tpu.memory_space<vmem>>, vector<1x16xf32>,
    %swap3A_248 = vector.shape_cast %swap3A_247 : vector<1x16xf32> to vector<16xf32>
    %swap3A_249 = vector.shape_cast %scan3A_224#3 : vector<16xf32> to vector<1x16xf32>
    tpu.vector_store %arg7[%swap3A_245, %swap3A_246], %swap3A_249 {strides = array<i32>} : memref<128x128xf32, #tpu.memory_space<vmem>>, vector<1x16xf32>,
    %swap3A_250 = arith.constant 127 : i32
    %swap3A_251 = arith.index_cast %swap3A_250 : i32 to index
    %swap3A_252 = arith.constant 64 : index
    %swap3A_253 = tpu.vector_load %arg7[%swap3A_251, %swap3A_252] {strides = array<i32>} : memref<128x128xf32, #tpu.memory_space<vmem>>, vector<1x16xf32>,
    %swap3A_254 = vector.shape_cast %swap3A_253 : vector<1x16xf32> to vector<16xf32>
    %swap3A_255 = vector.shape_cast %scan3A_224#4 : vector<16xf32> to vector<1x16xf32>
    tpu.vector_store %arg7[%swap3A_251, %swap3A_252], %swap3A_255 {strides = array<i32>} : memref<128x128xf32, #tpu.memory_space<vmem>>, vector<1x16xf32>,
    %swap3A_256 = arith.constant 127 : i32
    %swap3A_257 = arith.index_cast %swap3A_256 : i32 to index
    %swap3A_258 = arith.constant 80 : index
    %swap3A_259 = tpu.vector_load %arg7[%swap3A_257, %swap3A_258] {strides = array<i32>} : memref<128x128xf32, #tpu.memory_space<vmem>>, vector<1x16xf32>,
    %swap3A_260 = vector.shape_cast %swap3A_259 : vector<1x16xf32> to vector<16xf32>
    %swap3A_261 = vector.shape_cast %scan3A_224#5 : vector<16xf32> to vector<1x16xf32>
    tpu.vector_store %arg7[%swap3A_257, %swap3A_258], %swap3A_261 {strides = array<i32>} : memref<128x128xf32, #tpu.memory_space<vmem>>, vector<1x16xf32>,
    %swap3A_262 = arith.constant 127 : i32
    %swap3A_263 = arith.index_cast %swap3A_262 : i32 to index
    %swap3A_264 = arith.constant 96 : index
    %swap3A_265 = tpu.vector_load %arg7[%swap3A_263, %swap3A_264] {strides = array<i32>} : memref<128x128xf32, #tpu.memory_space<vmem>>, vector<1x16xf32>,
    %swap3A_266 = vector.shape_cast %swap3A_265 : vector<1x16xf32> to vector<16xf32>
    %swap3A_267 = vector.shape_cast %scan3A_224#6 : vector<16xf32> to vector<1x16xf32>
    tpu.vector_store %arg7[%swap3A_263, %swap3A_264], %swap3A_267 {strides = array<i32>} : memref<128x128xf32, #tpu.memory_space<vmem>>, vector<1x16xf32>,
    %swap3A_268 = arith.constant 127 : i32
    %swap3A_269 = arith.index_cast %swap3A_268 : i32 to index
    %swap3A_270 = arith.constant 112 : index
    %swap3A_271 = tpu.vector_load %arg7[%swap3A_269, %swap3A_270] {strides = array<i32>} : memref<128x128xf32, #tpu.memory_space<vmem>>, vector<1x16xf32>,
    %swap3A_272 = vector.shape_cast %swap3A_271 : vector<1x16xf32> to vector<16xf32>
    %swap3A_273 = vector.shape_cast %scan3A_224#7 : vector<16xf32> to vector<1x16xf32>
    tpu.vector_store %arg7[%swap3A_269, %swap3A_270], %swap3A_273 {strides = array<i32>} : memref<128x128xf32, #tpu.memory_space<vmem>>, vector<1x16xf32>,
    %dma_wait3A_274 = arith.constant 0 : i32
    %dma_wait3A_275 = arith.constant 0 : i32
    %dma_wait3A_276 = arith.constant 2 : i32
    %dma_wait3A_277 = arith.constant 0 : i32
    %dma_wait3A_278 = arith.constant 0 : i32
    %dma_wait3A_279 = tpu.memref_slice %arg6[%dma_wait3A_276, %dma_wait3A_277, %dma_wait3A_278] : memref<3x200x128xf32, #tpu.memory_space<vmem>> -> memref<1x100x128xf32, #tpu.memory_space<vmem>>
    %dma_wait3A_280 = tpu.memref_squeeze %dma_wait3A_279 : memref<1x100x128xf32, #tpu.memory_space<vmem>> -> memref<100x128xf32, #tpu.memory_space<vmem>>
    %dma_wait3A_281 = arith.constant 0 : i32
    %dma_wait3A_282 = tpu.memref_slice %arg5[%dma_wait3A_274, %dma_wait3A_275, %dma_wait3A_281] : memref<128x2x100xi32, #tpu.memory_space<vmem>> -> memref<1x1x100xi32, #tpu.memory_space<vmem>>
    %dma_wait3A_283 = tpu.memref_squeeze %dma_wait3A_282 : memref<1x1x100xi32, #tpu.memory_space<vmem>> -> memref<100xi32, #tpu.memory_space<vmem>>
    %dma_wait3A_284 = arith.constant 0 : i32
    %dma_wait3A_285 = arith.constant 0 : i32
    %dma_wait3A_286 = tpu.memref_slice %arg3[%dma_wait3A_284, %dma_wait3A_285] : memref<100000x128xf32, #tpu.memory_space<hbm>> -> memref<100000x128xf32, #tpu.memory_space<hbm>>
    tpu.wait_indirect_dma semaphore(%arg10 : memref<!tpu.dma_semaphore, #tpu.memory_space<semaphore_mem>>) src(%dma_wait3A_286 : memref<100000x128xf32, #tpu.memory_space<hbm>>) dst(%dma_wait3A_280 : memref<100x128xf32, #tpu.memory_space<vmem>>)
    %dma_wait3A_287 = arith.constant 0 : i32
    %dma_wait3A_288 = arith.constant 1 : i32
    %dma_wait3A_289 = arith.constant 2 : i32
    %dma_wait3A_290 = arith.constant 100 : i32
    %dma_wait3A_291 = arith.constant 0 : i32
    %dma_wait3A_292 = tpu.memref_slice %arg6[%dma_wait3A_289, %dma_wait3A_290, %dma_wait3A_291] : memref<3x200x128xf32, #tpu.memory_space<vmem>> -> memref<1x100x128xf32, #tpu.memory_space<vmem>>
    %dma_wait3A_293 = tpu.memref_squeeze %dma_wait3A_292 : memref<1x100x128xf32, #tpu.memory_space<vmem>> -> memref<100x128xf32, #tpu.memory_space<vmem>>
    %dma_wait3A_294 = arith.constant 0 : i32
    %dma_wait3A_295 = tpu.memref_slice %arg5[%dma_wait3A_287, %dma_wait3A_288, %dma_wait3A_294] : memref<128x2x100xi32, #tpu.memory_space<vmem>> -> memref<1x1x100xi32, #tpu.memory_space<vmem>>
    %dma_wait3A_296 = tpu.memref_squeeze %dma_wait3A_295 : memref<1x1x100xi32, #tpu.memory_space<vmem>> -> memref<100xi32, #tpu.memory_space<vmem>>
    %dma_wait3A_297 = arith.constant 0 : i32
    %dma_wait3A_298 = arith.constant 0 : i32
    %dma_wait3A_299 = tpu.memref_slice %arg3[%dma_wait3A_297, %dma_wait3A_298] : memref<100000x128xf32, #tpu.memory_space<hbm>> -> memref<100000x128xf32, #tpu.memory_space<hbm>>
    tpu.wait_indirect_dma semaphore(%arg10 : memref<!tpu.dma_semaphore, #tpu.memory_space<semaphore_mem>>) src(%dma_wait3A_299 : memref<100000x128xf32, #tpu.memory_space<hbm>>) dst(%dma_wait3A_293 : memref<100x128xf32, #tpu.memory_space<vmem>>)
    "tpu.region"() ({
      %run_scoped3A = tpu.sem_alloc : memref<!tpu.dma_semaphore, #tpu.memory_space<semaphore_mem>>
      %dma_start3A_300 = arith.constant 0 : i32
      %dma_start3A_301 = tpu.memref_slice %arg4[%mul3A_2, %dma_start3A_300] : memref<4096x128xf32, #tpu.memory_space<hbm>> -> memref<128x128xf32, #tpu.memory_space<hbm>>
      %dma_start3A_302 = arith.constant 0 : i32
      %dma_start3A_303 = tpu.memref_slice %arg4[%mul3A_2, %dma_start3A_302] : memref<4096x128xf32, #tpu.memory_space<hbm>> -> memref<128x128xf32, #tpu.memory_space<hbm>>
      tpu.enqueue_dma source(%arg7 : memref<128x128xf32, #tpu.memory_space<vmem>>) target(%dma_start3A_303 : memref<128x128xf32, #tpu.memory_space<hbm>>) target_semaphore(%run_scoped3A : memref<!tpu.dma_semaphore, #tpu.memory_space<semaphore_mem>>)
      %dma_wait3A_304 = arith.constant 0 : i32
      %dma_wait3A_305 = tpu.memref_slice %arg4[%mul3A_2, %dma_wait3A_304] : memref<4096x128xf32, #tpu.memory_space<hbm>> -> memref<128x128xf32, #tpu.memory_space<hbm>>
      %dma_wait3A_306 = arith.constant 0 : i32
      %dma_wait3A_307 = tpu.memref_slice %arg4[%mul3A_2, %dma_wait3A_306] : memref<4096x128xf32, #tpu.memory_space<hbm>> -> memref<128x128xf32, #tpu.memory_space<hbm>>
      tpu.wait_dma2 semaphore(%run_scoped3A : memref<!tpu.dma_semaphore, #tpu.memory_space<semaphore_mem>>) src(%arg7 : memref<128x128xf32, #tpu.memory_space<vmem>>) dst(%dma_wait3A_307 : memref<128x128xf32, #tpu.memory_space<hbm>>)
      tpu.yield
    }) : () -> ()
    return
  }
}

module attributes {stable_mosaic.version = 14 : i64} {
  func.func @body(%arg0: memref<4096x128xf32, #tpu.memory_space<vmem>>, %arg1: memref<128x128xf32, #tpu.memory_space<vmem>>, %arg2: memref<1x128xf32, #tpu.memory_space<vmem>>, %arg3: memref<128x2xf32, #tpu.memory_space<vmem>>, %arg4: memref<1x2xf32, #tpu.memory_space<vmem>>, %arg5: memref<4096x1xf32, #tpu.memory_space<vmem>>, %arg6: memref<4096x1xf32, #tpu.memory_space<vmem>>) attributes {dimension_semantics = [], scalar_prefetch = 0 : i64, scratch_operands = 0 : i64, tpu.core_type = #tpu.core_type<tc>} {
    %get3A = arith.constant 0 : index
    %get3A_0 = arith.constant 0 : index
    %get3A_1 = vector.load %arg0[%get3A, %get3A_0] : memref<4096x128xf32, #tpu.memory_space<vmem>>, vector<4096x128xf32>
    %get3A_2 = arith.constant 0 : index
    %get3A_3 = arith.constant 0 : index
    %get3A_4 = vector.load %arg1[%get3A_2, %get3A_3] : memref<128x128xf32, #tpu.memory_space<vmem>>, vector<128x128xf32>
    %dot_general3A = arith.constant dense<0.000000e+00> : vector<4096x128xf32>
    %dot_general3A_5 = tpu.matmul %get3A_1, %get3A_4, %dot_general3A {dimension_numbers = #tpu.dot_dimension_numbers<[1], [0], [0], [1], [0, 0, 1, 1], [], []>, transpose_lhs_hint = false} : vector<4096x128xf32>, vector<128x128xf32>, vector<4096x128xf32> -> vector<4096x128xf32>
    %get3A_6 = arith.constant 0 : index
    %get3A_7 = arith.constant 0 : index
    %get3A_8 = vector.load %arg2[%get3A_6, %get3A_7] : memref<1x128xf32, #tpu.memory_space<vmem>>, vector<1x128xf32>
    %add3A = vector.broadcast %get3A_8 : vector<1x128xf32> to vector<4096x128xf32>
    %add3A_9 = arith.addf %dot_general3A_5, %add3A : vector<4096x128xf32>
    %ge3A = arith.constant 0.000000e+00 : f32
    %ge3A_10 = vector.broadcast %ge3A : f32 to vector<4096x128xf32>
    %ge3A_11 = arith.cmpf oge, %add3A_9, %ge3A_10 : vector<4096x128xf32>
    %mul3A = arith.constant 0.00999999977 : f32
    %mul3A_12 = vector.broadcast %mul3A : f32 to vector<4096x128xf32>
    %mul3A_13 = arith.mulf %mul3A_12, %add3A_9 : vector<4096x128xf32>
    %select_n3A = arith.select %ge3A_11, %add3A_9, %mul3A_13 : vector<4096x128xi1>, vector<4096x128xf32>
    %get3A_14 = arith.constant 0 : index
    %get3A_15 = arith.constant 0 : index
    %get3A_16 = vector.load %arg3[%get3A_14, %get3A_15] : memref<128x2xf32, #tpu.memory_space<vmem>>, vector<128x2xf32>
    %dot_general3A_17 = arith.constant dense<0.000000e+00> : vector<4096x2xf32>
    %dot_general3A_18 = tpu.matmul %select_n3A, %get3A_16, %dot_general3A_17 {dimension_numbers = #tpu.dot_dimension_numbers<[1], [0], [0], [1], [0, 0, 1, 1], [], []>, transpose_lhs_hint = false} : vector<4096x128xf32>, vector<128x2xf32>, vector<4096x2xf32> -> vector<4096x2xf32>
    %get3A_19 = arith.constant 0 : index
    %get3A_20 = arith.constant 0 : index
    %get3A_21 = vector.load %arg4[%get3A_19, %get3A_20] : memref<1x2xf32, #tpu.memory_space<vmem>>, vector<1x2xf32>
    %add3A_22 = vector.broadcast %get3A_21 : vector<1x2xf32> to vector<4096x2xf32>
    %add3A_23 = arith.addf %dot_general3A_18, %add3A_22 : vector<4096x2xf32>
    %slice3A = vector.extract_strided_slice %add3A_23 {offsets = [0, 0], sizes = [4096, 1], strides = [1, 1]} : vector<4096x2xf32> to vector<4096x1xf32>
    %logistic3A = arith.negf %slice3A : vector<4096x1xf32>
    %logistic3A_24 = math.exp %logistic3A : vector<4096x1xf32>
    %logistic3A_25 = arith.constant 1.000000e+00 : f32
    %logistic3A_26 = vector.broadcast %logistic3A_25 : f32 to vector<4096x1xf32>
    %logistic3A_27 = arith.addf %logistic3A_26, %logistic3A_24 : vector<4096x1xf32>
    %logistic3A_28 = arith.divf %logistic3A_26, %logistic3A_27 : vector<4096x1xf32>
    %swap3A = arith.constant 0 : index
    %swap3A_29 = arith.constant 0 : index
    %swap3A_30 = vector.load %arg5[%swap3A, %swap3A_29] : memref<4096x1xf32, #tpu.memory_space<vmem>>, vector<4096x1xf32>
    tpu.vector_store %arg5[%swap3A, %swap3A_29], %logistic3A_28 {strides = array<i32>} : memref<4096x1xf32, #tpu.memory_space<vmem>>, vector<4096x1xf32>,
    %slice3A_31 = vector.extract_strided_slice %add3A_23 {offsets = [0, 1], sizes = [4096, 1], strides = [1, 1]} : vector<4096x2xf32> to vector<4096x1xf32>
    %swap3A_32 = arith.constant 0 : index
    %swap3A_33 = arith.constant 0 : index
    %swap3A_34 = vector.load %arg6[%swap3A_32, %swap3A_33] : memref<4096x1xf32, #tpu.memory_space<vmem>>, vector<4096x1xf32>
    tpu.vector_store %arg6[%swap3A_32, %swap3A_33], %slice3A_31 {strides = array<i32>} : memref<4096x1xf32, #tpu.memory_space<vmem>>, vector<4096x1xf32>,
    return
  }
}

</mosaic_0001>

<sc_bundles>
// kernel: kernel.4.cloned.1.call-start
scs
__scs_entry_jumppad:
0x0: {  	(pc) =	sbr.rel $0x88, $3  }
0x1: {  	(tag) =	ssettag $0x0;
	lr =	simm.s32 $0x1  }
0x2: {  	[smem:$0x3F99] =	sst lr;
	_ =	strace $0xD0000000  }
0x3: {  	_ = 	snop  }
0x4: {  	_ = 	snop  }
0x5: {  	_ = 	snop  }
0x6: {  	_ = 	snop  }
0x7: {  	_ = 	snop  }
__scs_overlays_trampoline_lowered:
0x8: {  	[smem:$0x3FA8] =	sst s0  }
0x9: {  	[smem:$0x3FA9] =	sst s1  }
0xa: {  	[smem:$0x3FAA] =	sst s2  }
0xb: {  	[smem:$0x3FAB] =	sst s3  }
0xc: {  	[smem:$0x3FAC] =	sst s4  }
0xd: {  	[smem:$0x3FAD] =	sst s5  }
0xe: {  	[smem:$0x3FAE] =	sst s6  }
0xf: {  	[smem:$0x3FAF] =	sst s7  }
0x10: {  	[smem:$0x3FB0] =	sst s8  }
0x11: {  	[smem:$0x3FB1] =	sst s9;
	s0 =	simm.s32 @!p0 $0x0  }
0x12: {  	s1 =	sld [smem:$0x3F97];
	s0 =	simm.s32 @p0 $0x1  }
0x13: {  	[smem:$0x3FB2] =	sst s0;
	s0 =	simm.s32 @!p1 $0x0  }
0x14: {  	s2 =	sld [smem:$0x3F96];
	s0 =	simm.s32 @p1 $0x1  }
0x15: {  	[smem:$0x3FB3] =	sst s0;
	s0 =	simm.s32 @!p2 $0x0  }
0x16: {  	s3 =	sld [smem:$0x3FDB];
	s0 =	simm.s32 @p2 $0x1  }
0x17: {  	s4 =	simm.s32 $0x1BF5;
	[smem:$0x3FB5] =	sst s0  }
0x18: {  	s0 =	sld [smem:$0x3F98];
	_ =	swait.ge [sflag:s4], $0x0  }
0x19: {  	s7 =	sld [smem:$0x3F99]  }
0x1a: {  	s8 =	sadd.s32 $0xFFFFE003, lr  }
0x1b: {  	s9 =	sadd.s32 $0xFFFFFEF7, lr;
	s5 =	simm.s32 $0xFFFFFFFF;
	p2 =	slt.u32 s8, $0xFFFFF086  }
0x1c: {  	p1 =	slt.u32 s9, $0xF7A;
	s5 =	simm.s32 @!p2 $0x0  }
0x1d: {  	s5 =	simm.s32 @p1 $0x1;
	p0 =	seq.s32 s7, s2  }
0x1e: {  	s7 =	smul.u32 @!p0 $0xF7A, s2;
	p2 =	seq.s32 @!p0 s5, $0x0  }
0x1f: {  	s9 =	smul.u32 $0xF7A, s1;
	s8 =	simm.s32 @!p0 $0x1BF5;
	p2 =	por !p2, p0  }
0x20: {  	[sflag:s8] =	ssyncset.s32 @!p0 $0xFFFFF086;
	s6 =	sadd.s32 @!p0 s3, s7;
	s7 =	simm.s32 @!p0 $0x108  }
0x21: {  	s3 =	sadd.s32 s3, s9;
	s6 =	sadd.s32 @!p0 $0x88, s6;
	s7 =	simm.s32 @p2 $0x1082  }
0x22: {  	[simem:s7], [sflag:s8] =	dma.local @!p0 [hbm:s6], $0xF7A  }
0x23: {  	s9 =	sor.u32 $0xD0000000, s2;
	s6 =	simm.s32 $0x108;
	_ =	swait.ge @!p0 [sflag:s8], $0x0  }
0x24: {  	s3 =	sadd.s32 $0x88, s3;
	s6 =	simm.s32 @!p1 $0x1082;
	[sflag:s4] =	ssyncset.s32 $0xFFFFF086  }
0x25: {  	[simem:s6], [sflag:s4] =	dma.local [hbm:s3], $0xF7A  }
0x26: {  	[smem:$0x3F99] =	sst s1;
	(tag) =	ssettag s2;
	_ =	strace s9  }
0x27: {  	s1 =	sld [smem:$0x3FA9]  }
0x28: {  	s2 =	sld [smem:$0x3FAA]  }
0x29: {  	s4 =	sld [smem:$0x3FAC]  }
0x2a: {  	p0 =	seq.s32 s5, $0x0;
	s5 =	sld [smem:$0x3FAD]  }
0x2b: {  	s6 =	sld [smem:$0x3FAE]  }
0x2c: {  	s7 =	sld [smem:$0x3FAF]  }
0x2d: {  	s3 =	simm.s32 $0x108;
	s8 =	sld [smem:$0x3FB0]  }
0x2e: {  	s3 =	simm.s32 @!p0 $0x1082;
	s9 =	sld [smem:$0x3FB1]  }
0x2f: {  	lr =	sadd.s32 s0, s3;
	s0 =	sld [smem:$0x3FA8]  }
0x30: {  	s3 =	sld [smem:$0x3FAB]  }
0x31: {  	[smem:$0x3FB4] =	sst s10  }
0x32: {  	s10 =	sld [smem:$0x3FB2];
	_ =	sdelay $0x3  }
0x33: {  	p0 =	seq.s32 s10, $0x1;
	s10 =	sld [smem:$0x3FB4];
	_ =	sdelay $0x3  }
0x34: {  	[smem:$0x3FB4] =	sst s10  }
0x35: {  	s10 =	sld [smem:$0x3FB3];
	_ =	sdelay $0x3  }
0x36: {  	p1 =	seq.s32 s10, $0x1;
	s10 =	sld [smem:$0x3FB4];
	_ =	sdelay $0x3  }
0x37: {  	[smem:$0x3FB4] =	sst s10  }
0x38: {  	s10 =	sld [smem:$0x3FB5]  }
0x39: {  	_ = 	snop;
	(pc) =	sbr.ind lr, $3  }
0x3a: {  	_ = 	snop  }
0x3b: {  	_ = 	snop  }
0x3c: {  	p2 =	seq.s32 s10, $0x1;
	s10 =	sld [smem:$0x3FB4]  }
0x3d: {  	_ =	shalt  }
0x3e: {  	_ =	shalt  }
0x3f: {  	_ =	shalt  }
0x40: {  	_ =	shalt  }
0x41: {  	_ =	shalt  }
0x42: {  	_ =	shalt  }
0x43: {  	_ =	shalt  }
0x44: {  	_ =	shalt  }
0x45: {  	_ =	shalt  }
0x46: {  	_ =	shalt  }
0x47: {  	_ =	shalt  }
0x48: {  	_ =	shalt  }
0x49: {  	_ =	shalt  }
0x4a: {  	_ =	shalt  }
0x4b: {  	_ =	shalt  }
0x4c: {  	_ =	shalt  }
0x4d: {  	_ =	shalt  }
0x4e: {  	_ =	shalt  }
0x4f: {  	_ =	shalt  }
0x50: {  	_ =	shalt  }
0x51: {  	_ =	shalt  }
0x52: {  	_ =	shalt  }
0x53: {  	_ =	shalt  }
0x54: {  	_ =	shalt  }
0x55: {  	_ =	shalt  }
0x56: {  	_ =	shalt  }
0x57: {  	_ =	shalt  }
0x58: {  	_ =	shalt  }
0x59: {  	_ =	shalt  }
0x5a: {  	_ =	shalt  }
0x5b: {  	_ =	shalt  }
0x5c: {  	_ =	shalt  }
0x5d: {  	_ =	shalt  }
0x5e: {  	_ =	shalt  }
0x5f: {  	_ =	shalt  }
0x60: {  	_ =	shalt  }
0x61: {  	_ =	shalt  }
0x62: {  	_ =	shalt  }
0x63: {  	_ =	shalt  }
0x64: {  	_ =	shalt  }
0x65: {  	_ =	shalt  }
0x66: {  	_ =	shalt  }
0x67: {  	_ =	shalt  }
0x68: {  	_ =	shalt  }
0x69: {  	_ =	shalt  }
0x6a: {  	_ =	shalt  }
0x6b: {  	_ =	shalt  }
0x6c: {  	_ =	shalt  }
0x6d: {  	_ =	shalt  }
0x6e: {  	_ =	shalt  }
0x6f: {  	_ =	shalt  }
0x70: {  	_ =	shalt  }
0x71: {  	_ =	shalt  }
0x72: {  	_ =	shalt  }
0x73: {  	_ =	shalt  }
0x74: {  	_ =	shalt  }
0x75: {  	_ =	shalt  }
0x76: {  	_ =	shalt  }
0x77: {  	_ =	shalt  }
0x78: {  	_ =	shalt  }
0x79: {  	_ =	shalt  }
0x7a: {  	_ =	shalt  }
0x7b: {  	_ =	shalt  }
0x7c: {  	_ =	shalt  }
0x7d: {  	_ =	shalt  }
0x7e: {  	_ =	shalt  }
0x7f: {  	_ =	shalt  }
0x80: {  	_ =	shalt  }
0x81: {  	_ =	shalt  }
0x82: {  	_ =	shalt  }
0x83: {  	_ =	shalt  }
0x84: {  	_ =	shalt  }
0x85: {  	_ =	shalt  }
0x86: {  	_ =	shalt  }
0x87: {  	_ =	shalt  }
.Lfunc_end0:
.L_simem_size_0:
called_computation_lowered:
.L_overlay_start_0:
0x88: {  	s2 =	sld [smem:$0x3FD9]  }
0x89: {  	s3 =	sld [smem:$0x3FFE];
	_ =	sdelay $0x1  }
0x8a: {  	s1 =	srdreg.scid  }
0x8b: {  	s0 =	sand.u32 $0x1, s1  }
0x8c: {  	s17 =	sshll.u32 s0, $0xA;
	s2 =	sadd.s32 s3, s2  }
0x8d: {  	s2 =	sadd.s32 s2, s17  }
0x8e: {  	[smem:$0x3FC0] =	sst s2  }
0x8f: {  	_ = 	snop  }
0x90: {  	s2 =	sld [smem:$0x3FC8];
	(tm) =	ssettm $0x1  }
0x91: {  	s18 =	sld [smem:$0x3FFB];
	_ =	sdelay $0x3  }
0x92: {  	_ =	strace s18  }
0x93: {  	s3 =	sld [smem:$0x3FFC];
	_ =	sdelay $0x3  }
0x94: {  	_ =	strace s3  }
0x95: {  	s3 =	sld [smem:$0x3FFD];
	_ =	sdelay $0x3  }
0x96: {  	_ =	strace s3  }
0x97: {  	_ =	strace $0x8FFFFFFF  }
0x98: {  	s19 =	sld [smem:$0x3FDB];
	_ =	sdelay $0x1  }
0x99: {  	s4 =	simm.s32 $_scs_section_size  }
0x9a: {  	s5 =	simm.s32 $_size__tile_overlayer_lowered;
	s6 =	simm.s32 $_tile_overlayer_lowered  }
0x9b: {  	s22 =	simm.s32 $0x1BFF;
	s21 =	sshll.u32 s6, $0x1;
	s3 =	sadd.s32 s4, s19  }
0x9c: {  	s7 =	simm.s32 $0x0;
	s20 =	sshll.u32 s5, $0x1;
	s5 =	sadd.s32 s21, s3  }
0x9d: {  	[timem:s7], [sflag:s22] =	dma.local [hbm:s5], s20  }
0x9e: {  	_ =	swait.ge [sflag:s22], s20  }
0x9f: {  	s4 =	ssub.s32 $0x0, s20;
	[sflag:s22] =	ssyncset.done $0x0  }
0xa0: {  	[sflag:s22] =	ssyncadd.s32 s4;
	_ =	sdelay $0x1  }
0xa1: {  	s23 =	simm.s32 $0x1B8B  }
0xa2: {  	_ =	swait.ge [sflag:s23], $0x1  }
0xa3: {  	[sflag:s23] =	ssyncset.done $0x0  }
0xa4: {  	s25 =	simm.s32 $0x1B8E;
	s24 =	sld [smem:$0x3FFE];
	[sflag:s23] =	ssyncadd.s32 $0xFFFFFFFF  }
0xa5: {  	s26 =	simm.s32 $execute0_lowered;
	[smem:$0x3FD2] =	sst s25  }
0xa6: {  	s5 =	sshll.u32 s26, $0x1;
	_ =	strace $0x80000046;
	[dreg:$0x1] =	wrdreg $0xFFFFFFFF  }
0xa7: {  	s28 =	simm.s32 $_size_execute0_lowered;
	s3 =	sadd.s32 s3, s5;
	[dreg:$0x0] =	wrdreg $0x0  }
0xa8: {  	s5 =	sshll.u32 s28, $0x1;
	[dreg:$0x2] =	wrdreg s3  }
0xa9: {  	[dreg:$0x3] =	wrdreg s5  }
0xaa: {  	[dreg:$0x4] =	wrdreg $0xC0  }
0xab: {  	_ =	task [dreg:s7], $0x5FFFF  }
0xac: {  	[dreg:$0x1] =	wrdreg $0xFFFFFFFF  }
0xad: {  	[dreg:$0x0] =	wrdreg $0x60  }
0xae: {  	[dreg:$0x2] =	wrdreg s24  }
0xaf: {  	[dreg:$0x3] =	wrdreg s2  }
0xb0: {  	[dreg:$0x4] =	wrdreg $0x9  }
0xb1: {  	_ =	task.clear_ibuf [dreg:s7], $0x5FFFF;
	_ =	strace $0x90000046  }
0xb2: {  	s29 =	simm.s32 $0x9;
	_ =	strace $0x80000048  }
0xb3: {  	_ =	swait.ge [sflag:s29], $0x1  }
0xb4: {  	[sflag:s29] =	ssyncadd.s32 $0xFFFFFFFF  }
0xb5: {  	_ =	strace $0x90000048  }
0xb6: {  	_ =	sfence  }
0xb7: {  	s30 =	sld [smem:$0x0];
	_ =	sdelay $0x2  }
0xb8: {  	s31 =	sshll.u32 s1, $0xD;
	s1 =	sshrl.u32 s1, $0x2  }
0xb9: {  	s3 =	sand.u32 $0x4000, s31;
	s1 =	sadd.s32 s1, s30  }
0xba: {  	s0 =	sor.u32 s3, s0;
	s1 =	sshll.u32 s1, $0x11  }
0xbb: {  	s0 =	sor.u32 s1, s0  }
0xbc: {  	s0 =	sadd.s32 $0x8F2B, s0  }
0xbd: {  	[sflag:s0] =	ssyncadd.remote.s32 $0x1  }
0xbe: {  	_ =	sfence.sel $0xFFFF  }
0xbf: {  	[dreg:$0x0] =	wrdreg $0xFFFFFFFF;
	(pc) =	sbr.abs _section_cstart, $3  }
0xc0: {  	[dreg:$0x1] =	wrdreg $0xFFFFFFFF  }
0xc1: {  	_ =	task.clear_ibuf [dreg:s7], $0x2FFFF;
	_ =	strace $0x9FFFFFFF  }
0xc2: {  	(tm) =	ssettm $0x7FFFFFFF  }
0xc3: {  	_ =	shalt  }
tec
execute0_lowered:
.L_overlay_start_1:
0x0: {  	(tag) =	ssettag $0x1  }
0x1: {  	s4 =	rddreg [dreg:$0x0]  }
0x2: {  	s2 =	rddreg [dreg:$0x1]  }
0x3: {  	s0 =	rddreg [dreg:$0x2];
	s5 =	srdreg.scid  }
0x4: {  	s3 =	simm.s32 $0x0;
	s1 =	stileid.u32;
	s9 =	simm.s32 $0x8000  }
0x5: {  	s10 =	simm.s32 $0x80;
	s11 =	simm.s32 $0xB200;
	s12 =	simm.s32 $0x100  }
0x6: {  	s13 =	simm.s32 $0xE400;
	s14 =	simm.s32 $0x180;
	s15 =	simm.s32 $0x11600  }
0x7: {  	s16 =	simm.s32 $0x200;
	s17 =	simm.s32 $0x14800;
	s18 =	simm.s32 $0x280  }
0x8: {  	s19 =	simm.s32 $0x17A00;
	s20 =	simm.s32 $0x1;
	s21 =	simm.s32 $0x2  }
0x9: {  	s22 =	simm.s32 $0x3;
	s23 =	simm.s32 $0x1AC00;
	s5 =	sand.u32 $0x1, s5  }
0xa: {  	[smem:$0x7FF] =	sst s3;
	s6 =	sshll.u32 s1, $0x8;
	s7 =	sshll.u32 s5, $0x7  }
0xb: {  	s24 =	simm.s32 $0x0;
	_ =	strace $0x80000047;
	s6 =	sor.u32 s7, s6  }
0xc: {  	s5 =	ssub.s32 $0x2, s5;
	s7 =	sshll.u32 s6, $0x5;
	s6 =	sshll.u32 s6, $0x4  }
0xd: {  	s8 =	sshrl.u32 s5, $0x1;
	s7 =	sadd.s32 s7, s4;
	s6 =	sadd.s32 s6, s4  }
0xe: {  	s8 =	ssub.s32 s5, s8;
	s4 =	sadd.s32 $0x1000, s7;
	s5 =	sadd.s32 $0x21000, s6  }
0xf: {  	s6 =	smax.u32 s8, $0x1;
	s7 =	simm.s32 $0x4;
	s8 =	simm.s32 $0x64  }
.LBB2_1:
0x10: {  	[tilespmem:s3], [sflag:$0x4] =	stream.linear.gather [hbm4b:s4+s3], $0x8000, $0x38;
	[tilespmem:$0x1EC00] =	vst v63  }
0x11: {  	_ =	swait.ge [sflag:s7], $0x8000  }
0x12: {  	[sflag:s7] =	ssyncset.done $0x0  }
0x13: {  	[sflag:s7] =	ssyncadd.s32 $0xFFFF8000  }
0x14: {  	[tilespmem:s9], [sflag:$0x1] =	stream.indirect.gather [hbm4b:s2+s8], $0x80, s3, s8, $0xb8;
	[tilespmem:$0x1EC00] =	vst v63  }
0x15: {  	_ = 	snop  }
0x16: {  	[tilespmem:s11], [sflag:$0x1] =	stream.indirect.gather [hbm4b:s2+s8], $0x80, s10, s8, $0xb8;
	[tilespmem:$0x1EC00] =	vst v63  }
0x17: {  	_ = 	snop  }
0x18: {  	[tilespmem:s13], [sflag:$0x2] =	stream.indirect.gather [hbm4b:s2+s8], $0x80, s12, s8, $0xb8;
	[tilespmem:$0x1EC00] =	vst v63  }
0x19: {  	_ = 	snop  }
0x1a: {  	[tilespmem:s15], [sflag:$0x2] =	stream.indirect.gather [hbm4b:s2+s8], $0x80, s14, s8, $0xb8;
	[tilespmem:$0x1EC00] =	vst v63  }
0x1b: {  	_ = 	snop  }
0x1c: {  	[tilespmem:s17], [sflag:$0x3] =	stream.indirect.gather [hbm4b:s2+s8], $0x80, s16, s8, $0xb8;
	[tilespmem:$0x1EC00] =	vst v63  }
0x1d: {  	s25 =	simm.s32 $0x0  }
0x1e: {  	[tilespmem:s19], [sflag:$0x3] =	stream.indirect.gather [hbm4b:s2+s8], $0x80, s18, s8, $0xb8;
	[tilespmem:$0x1EC00] =	vst v63  }
.LBB2_2:
0x1f: {  	_ =	swait.ge [sflag:s20], $0x3200  }
0x20: {  	[sflag:s20] =	ssyncset.done $0x0  }
0x21: {  	[sflag:s20] =	ssyncadd.s32 $0xFFFFCE00  }
0x22: {  	_ =	swait.ge [sflag:s20], $0x3200  }
0x23: {  	[sflag:s20] =	ssyncset.done $0x0  }
0x24: {  	s29 =	simm.s32 $0x0;
	[sflag:s20] =	ssyncadd.s32 $0xFFFFCE00  }
0x25: {  	v0 =	vld [tilespmem:s29+$0x8070]  }
0x26: {  	v2 =	vld [tilespmem:s29+$0x8000]  }
0x27: {  	v3 =	vld [tilespmem:s29+$0x8010]  }
0x28: {  	v10 =	vld [tilespmem:s29+$0x8020]  }
0x29: {  	v9 =	vld [tilespmem:s29+$0x8030]  }
0x2a: {  	v1 =	vimm.f32 $-Inf;
	v4 =	vimm.f32 $-Inf;
	v5 =	vld [tilespmem:s29+$0x8040]  }
0x2b: {  	v6 =	vimm.f32 $-Inf;
	v7 =	vld [tilespmem:s29+$0x8050];
	v0 =	vmax.f32 v1, v0;
	v12 =	vmax.f32 v1, v2  }
0x2c: {  	s26 =	simm.s32 $0x80;
	s28 =	simm.s32 $0x400;
	v11 =	vld [tilespmem:s29+$0x8060];
	v8 =	vmax.f32 v1, v3;
	v3 =	vimm.f32 $-Inf;
	v2 =	vimm.f32 $-Inf  }
.LBB2_3:
0x2d: {  	p0 =	sne.s32 s28, $0x18E00;
	v13 =	vld [tilespmem:s26+$0x8070];
	v1 =	vmax.f32 v1, v10  }
0x2e: {  	v14 =	vld [tilespmem:s26+$0x8000];
	v4 =	vmax.f32 v4, v9  }
0x2f: {  	v15 =	vld [tilespmem:s26+$0x8010];
	v6 =	vmax.f32 v6, v5  }
.Ltmp0:
0x30: {  	v10 =	vld [tilespmem:s26+$0x8020];
	v3 =	vmax.f32 v3, v7;
	(pc) =	sbr.rel @p0 .LBB2_3-.Ltmp0, $4  }
0x31: {  	v9 =	vld [tilespmem:s26+$0x8030];
	v2 =	vmax.f32 v2, v11  }
0x32: {  	v5 =	vld [tilespmem:s26+$0x8040];
	v0 =	vmax.f32 v0, v13  }
0x33: {  	v12 =	vmax.f32 v12, v14;
	v7 =	vld [tilespmem:s26+$0x8050]  }
0x34: {  	v8 =	vmax.f32 v8, v15;
	v11 =	vld [tilespmem:s26+$0x8060];
	s26 =	sshra.s32 s28, $0x2;
	s28 =	sadd.s32 $0x200, s28  }
0x35: {  	v13 =	vld [tilespmem:s26+$0x8070]  }
0x36: {  	v14 =	vld [tilespmem:s26+$0x8000]  }
0x37: {  	v15 =	vld [tilespmem:s26+$0x8010]  }
0x38: {  	v16 =	vld [tilespmem:s26+$0x8020]  }
0x39: {  	v17 =	vld [tilespmem:s26+$0x8030]  }
0x3a: {  	v18 =	vld [tilespmem:s26+$0x8040];
	s28 =	smul.u32 $0x600, s25  }
0x3b: {  	v19 =	vld [tilespmem:s26+$0x8050]  }
0x3c: {  	v12 =	vmax.f32 v12, v14;
	v14 =	vld [tilespmem:s26+$0x8060];
	s26 =	sshra.s32 s28, $0x2  }
0x3d: {  	v1 =	vmax.f32 v1, v10;
	v8 =	vmax.f32 v8, v15;
	[tilespmem:s26+$0x1AC00] =	vst v12  }
0x3e: {  	v4 =	vmax.f32 v4, v9;
	v1 =	vmax.f32 v1, v16;
	[tilespmem:s26+$0x1AC10] =	vst v8  }
0x3f: {  	v4 =	vmax.f32 v4, v17;
	[tilespmem:s26+$0x1AC20] =	vst v1  }
0x40: {  	v5 =	vmax.f32 v6, v5;
	v0 =	vmax.f32 v0, v13;
	[tilespmem:s26+$0x1AC30] =	vst v4  }
0x41: {  	v1 =	vmax.f32 v3, v7;
	v3 =	vmax.f32 v5, v18;
	[tilespmem:s26+$0x1AC70] =	vst v0  }
0x42: {  	v2 =	vmax.f32 v2, v11;
	s28 =	smul.u32 $0x300, s25;
	v1 =	vmax.f32 v1, v19;
	[tilespmem:s26+$0x1AC40] =	vst v3  }
0x43: {  	[tilespmem:s26+$0x1AC50] =	vst v1;
	v2 =	vmax.f32 v2, v14  }
0x44: {  	s29 =	sadd.s32 $0x300, s28;
	[tilespmem:s26+$0x1AC60] =	vst v2  }
0x45: {  	[tilespmem:s9], [sflag:$0x1] =	stream.indirect.gather [hbm4b:s2+s8], $0x80, s29, s8, $0xb8;
	[tilespmem:$0x1EC00] =	vst v63  }
0x46: {  	s29 =	sadd.s32 $0x380, s28  }
0x47: {  	[tilespmem:s11], [sflag:$0x1] =	stream.indirect.gather [hbm4b:s2+s8], $0x80, s29, s8, $0xb8;
	[tilespmem:$0x1EC00] =	vst v63  }
0x48: {  	_ =	swait.ge [sflag:s21], $0x3200  }
0x49: {  	[sflag:s21] =	ssyncset.done $0x0  }
0x4a: {  	[sflag:s21] =	ssyncadd.s32 $0xFFFFCE00  }
0x4b: {  	_ =	swait.ge [sflag:s21], $0x3200  }
0x4c: {  	[sflag:s21] =	ssyncset.done $0x0  }
0x4d: {  	s31 =	simm.s32 $0x0;
	[sflag:s21] =	ssyncadd.s32 $0xFFFFCE00  }
0x4e: {  	v0 =	vld [tilespmem:s31+$0xE470]  }
0x4f: {  	v2 =	vld [tilespmem:s31+$0xE400]  }
0x50: {  	v3 =	vld [tilespmem:s31+$0xE410]  }
0x51: {  	v11 =	vld [tilespmem:s31+$0xE420]  }
0x52: {  	v9 =	vld [tilespmem:s31+$0xE430]  }
0x53: {  	v6 =	vimm.f32 $-Inf;
	v1 =	vimm.f32 $-Inf;
	v5 =	vld [tilespmem:s31+$0xE440]  }
0x54: {  	v4 =	vimm.f32 $-Inf;
	v7 =	vld [tilespmem:s31+$0xE450];
	v0 =	vmax.f32 v1, v0;
	v10 =	vmax.f32 v1, v2  }
0x55: {  	s30 =	simm.s32 $0x400;
	s29 =	simm.s32 $0x80;
	v12 =	vld [tilespmem:s31+$0xE460];
	v8 =	vmax.f32 v1, v3;
	v3 =	vimm.f32 $-Inf;
	v2 =	vimm.f32 $-Inf  }
.LBB2_5:
0x56: {  	p0 =	sne.s32 s30, $0x18E00;
	v13 =	vld [tilespmem:s29+$0xE470];
	v1 =	vmax.f32 v1, v11  }
0x57: {  	v14 =	vld [tilespmem:s29+$0xE400];
	v4 =	vmax.f32 v4, v9  }
0x58: {  	v15 =	vld [tilespmem:s29+$0xE410];
	v6 =	vmax.f32 v6, v5  }
.Ltmp1:
0x59: {  	v11 =	vld [tilespmem:s29+$0xE420];
	v3 =	vmax.f32 v3, v7;
	(pc) =	sbr.rel @p0 .LBB2_5-.Ltmp1, $4  }
0x5a: {  	v9 =	vld [tilespmem:s29+$0xE430];
	v2 =	vmax.f32 v2, v12  }
0x5b: {  	v5 =	vld [tilespmem:s29+$0xE440];
	v0 =	vmax.f32 v0, v13  }
0x5c: {  	v10 =	vmax.f32 v10, v14;
	v7 =	vld [tilespmem:s29+$0xE450]  }
0x5d: {  	v8 =	vmax.f32 v8, v15;
	v12 =	vld [tilespmem:s29+$0xE460];
	s29 =	sshra.s32 s30, $0x2;
	s30 =	sadd.s32 $0x200, s30  }
0x5e: {  	v13 =	vld [tilespmem:s29+$0xE470]  }
0x5f: {  	v14 =	vld [tilespmem:s29+$0xE400]  }
0x60: {  	v15 =	vld [tilespmem:s29+$0xE410]  }
0x61: {  	v16 =	vld [tilespmem:s29+$0xE420]  }
0x62: {  	v17 =	vld [tilespmem:s29+$0xE430]  }
0x63: {  	v18 =	vld [tilespmem:s29+$0xE440]  }
0x64: {  	v19 =	vld [tilespmem:s29+$0xE450];
	v10 =	vmax.f32 v10, v14  }
0x65: {  	v1 =	vmax.f32 v1, v11;
	v14 =	vld [tilespmem:s29+$0xE460];
	v8 =	vmax.f32 v8, v15;
	[tilespmem:s26+$0x1AC80] =	vst v10  }
0x66: {  	v4 =	vmax.f32 v4, v9;
	v1 =	vmax.f32 v1, v16;
	[tilespmem:s26+$0x1AC90] =	vst v8  }
0x67: {  	v4 =	vmax.f32 v4, v17;
	[tilespmem:s26+$0x1ACA0] =	vst v1  }
0x68: {  	v5 =	vmax.f32 v6, v5;
	v0 =	vmax.f32 v0, v13;
	[tilespmem:s26+$0x1ACB0] =	vst v4  }
0x69: {  	v1 =	vmax.f32 v3, v7;
	v3 =	vmax.f32 v5, v18;
	[tilespmem:s26+$0x1ACF0] =	vst v0  }
0x6a: {  	v2 =	vmax.f32 v2, v12;
	v1 =	vmax.f32 v1, v19;
	[tilespmem:s26+$0x1ACC0] =	vst v3  }
0x6b: {  	[tilespmem:s26+$0x1ACD0] =	vst v1;
	v2 =	vmax.f32 v2, v14  }
0x6c: {  	s29 =	sadd.s32 $0x400, s28;
	[tilespmem:s26+$0x1ACE0] =	vst v2  }
0x6d: {  	[tilespmem:s13], [sflag:$0x2] =	stream.indirect.gather [hbm4b:s2+s8], $0x80, s29, s8, $0xb8;
	[tilespmem:$0x1EC00] =	vst v63  }
0x6e: {  	s29 =	sadd.s32 $0x480, s28  }
0x6f: {  	[tilespmem:s15], [sflag:$0x2] =	stream.indirect.gather [hbm4b:s2+s8], $0x80, s29, s8, $0xb8;
	[tilespmem:$0x1EC00] =	vst v63  }
0x70: {  	_ =	swait.ge [sflag:s22], $0x3200  }
0x71: {  	[sflag:s22] =	ssyncset.done $0x0  }
0x72: {  	[sflag:s22] =	ssyncadd.s32 $0xFFFFCE00  }
0x73: {  	_ =	swait.ge [sflag:s22], $0x3200  }
0x74: {  	[sflag:s22] =	ssyncset.done $0x0  }
0x75: {  	s31 =	simm.s32 $0x0;
	[sflag:s22] =	ssyncadd.s32 $0xFFFFCE00  }
0x76: {  	v0 =	vld [tilespmem:s31+$0x14870]  }
0x77: {  	v2 =	vld [tilespmem:s31+$0x14800]  }
0x78: {  	v3 =	vld [tilespmem:s31+$0x14810]  }
0x79: {  	v11 =	vld [tilespmem:s31+$0x14820]  }
0x7a: {  	v9 =	vld [tilespmem:s31+$0x14830]  }
0x7b: {  	v6 =	vimm.f32 $-Inf;
	v1 =	vimm.f32 $-Inf;
	v5 =	vld [tilespmem:s31+$0x14840]  }
0x7c: {  	v4 =	vimm.f32 $-Inf;
	v7 =	vld [tilespmem:s31+$0x14850];
	v0 =	vmax.f32 v1, v0;
	v10 =	vmax.f32 v1, v2  }
0x7d: {  	s30 =	simm.s32 $0x400;
	s29 =	simm.s32 $0x80;
	v12 =	vld [tilespmem:s31+$0x14860];
	v8 =	vmax.f32 v1, v3;
	v3 =	vimm.f32 $-Inf;
	v2 =	vimm.f32 $-Inf  }
.LBB2_7:
0x7e: {  	p0 =	sne.s32 s30, $0x18E00;
	v13 =	vld [tilespmem:s29+$0x14870];
	v1 =	vmax.f32 v1, v11  }
0x7f: {  	v14 =	vld [tilespmem:s29+$0x14800];
	v4 =	vmax.f32 v4, v9  }
0x80: {  	v15 =	vld [tilespmem:s29+$0x14810];
	v6 =	vmax.f32 v6, v5  }
.Ltmp2:
0x81: {  	v11 =	vld [tilespmem:s29+$0x14820];
	v3 =	vmax.f32 v3, v7;
	(pc) =	sbr.rel @p0 .LBB2_7-.Ltmp2, $4  }
0x82: {  	v9 =	vld [tilespmem:s29+$0x14830];
	v2 =	vmax.f32 v2, v12  }
0x83: {  	v5 =	vld [tilespmem:s29+$0x14840];
	v0 =	vmax.f32 v0, v13  }
0x84: {  	v10 =	vmax.f32 v10, v14;
	v7 =	vld [tilespmem:s29+$0x14850]  }
0x85: {  	v8 =	vmax.f32 v8, v15;
	v12 =	vld [tilespmem:s29+$0x14860];
	s29 =	sshra.s32 s30, $0x2;
	s30 =	sadd.s32 $0x200, s30  }
0x86: {  	v13 =	vld [tilespmem:s29+$0x14870]  }
0x87: {  	v14 =	vld [tilespmem:s29+$0x14800]  }
0x88: {  	v15 =	vld [tilespmem:s29+$0x14810]  }
0x89: {  	v16 =	vld [tilespmem:s29+$0x14820]  }
0x8a: {  	v17 =	vld [tilespmem:s29+$0x14830]  }
0x8b: {  	v18 =	vld [tilespmem:s29+$0x14840]  }
0x8c: {  	v61 =	vld [tilespmem:s29+$0x14860];
	v10 =	vmax.f32 v10, v14  }
0x8d: {  	v19 =	vld [tilespmem:s29+$0x14850];
	v1 =	vmax.f32 v1, v11;
	v8 =	vmax.f32 v8, v15;
	[tilespmem:s26+$0x1AD00] =	vst v10  }
0x8e: {  	v4 =	vmax.f32 v4, v9;
	v1 =	vmax.f32 v1, v16;
	[tilespmem:s26+$0x1AD10] =	vst v8  }
0x8f: {  	v5 =	vmax.f32 v6, v5;
	v4 =	vmax.f32 v4, v17;
	[tilespmem:s26+$0x1AD20] =	vst v1  }
0x90: {  	v2 =	vmax.f32 v2, v12;
	v63 =	vmax.f32 v5, v18;
	[tilespmem:s26+$0x1AD30] =	vst v4  }
0x91: {  	s25 =	sadd.s32 $0x1, s25;
	v2 =	vmax.f32 v2, v61;
	[tilespmem:s26+$0x1AD40] =	vst v63  }
0x92: {  	p0 =	sne.s32 s25, $0x2A;
	v62 =	vmax.f32 v3, v7;
	v0 =	vmax.f32 v0, v13;
	[tilespmem:s26+$0x1AD60] =	vst v2  }
.Ltmp3:
0x93: {  	s28 =	sadd.s32 $0x500, s28;
	v1 =	vmax.f32 v62, v19;
	[tilespmem:s26+$0x1AD70] =	vst v0;
	(pc) =	sbr.rel @p0 .LBB2_2-.Ltmp3, $4  }
0x94: {  	s31 =	sand.u32 $0x7F00, s28;
	[tilespmem:s26+$0x1AD50] =	vst v1  }
0x95: {  	[tilespmem:s17], [sflag:$0x3] =	stream.indirect.gather [hbm4b:s2+s8], $0x80, s31, s8, $0xb8;
	[tilespmem:$0x1EC00] =	vst v63  }
0x96: {  	s26 =	sor.u32 $0x80, s31  }
0x97: {  	[tilespmem:s19], [sflag:$0x3] =	stream.indirect.gather [hbm4b:s2+s8], $0x80, s26, s8, $0xb8;
	[tilespmem:$0x1EC00] =	vst v63  }
0x98: {  	_ =	swait.ge [sflag:s20], $0x3200  }
0x99: {  	[sflag:s20] =	ssyncset.done $0x0  }
0x9a: {  	[sflag:s20] =	ssyncadd.s32 $0xFFFFCE00  }
0x9b: {  	_ =	swait.ge [sflag:s20], $0x3200  }
0x9c: {  	[sflag:s20] =	ssyncset.done $0x0  }
0x9d: {  	s28 =	simm.s32 $0x0;
	[sflag:s20] =	ssyncadd.s32 $0xFFFFCE00  }
0x9e: {  	v0 =	vld [tilespmem:s28+$0x8070]  }
0x9f: {  	v2 =	vld [tilespmem:s28+$0x8000]  }
0xa0: {  	v3 =	vld [tilespmem:s28+$0x8010]  }
0xa1: {  	v11 =	vld [tilespmem:s28+$0x8020]  }
0xa2: {  	v9 =	vld [tilespmem:s28+$0x8030]  }
0xa3: {  	v1 =	vimm.f32 $-Inf;
	v4 =	vimm.f32 $-Inf;
	v5 =	vld [tilespmem:s28+$0x8040]  }
0xa4: {  	v6 =	vimm.f32 $-Inf;
	v7 =	vld [tilespmem:s28+$0x8050];
	v0 =	vmax.f32 v1, v0;
	v10 =	vmax.f32 v1, v2  }
0xa5: {  	s25 =	simm.s32 $0x80;
	s26 =	simm.s32 $0x400;
	v12 =	vld [tilespmem:s28+$0x8060];
	v8 =	vmax.f32 v1, v3;
	v3 =	vimm.f32 $-Inf;
	v2 =	vimm.f32 $-Inf  }
.LBB2_10:
0xa6: {  	p0 =	sne.s32 s26, $0x18E00;
	v13 =	vld [tilespmem:s25+$0x8070];
	v1 =	vmax.f32 v1, v11  }
0xa7: {  	v14 =	vld [tilespmem:s25+$0x8000];
	v4 =	vmax.f32 v4, v9  }
0xa8: {  	v15 =	vld [tilespmem:s25+$0x8010];
	v6 =	vmax.f32 v6, v5  }
.Ltmp4:
0xa9: {  	v11 =	vld [tilespmem:s25+$0x8020];
	v3 =	vmax.f32 v3, v7;
	(pc) =	sbr.rel @p0 .LBB2_10-.Ltmp4, $4  }
0xaa: {  	v9 =	vld [tilespmem:s25+$0x8030];
	v2 =	vmax.f32 v2, v12  }
0xab: {  	v5 =	vld [tilespmem:s25+$0x8040];
	v0 =	vmax.f32 v0, v13  }
0xac: {  	v10 =	vmax.f32 v10, v14;
	v7 =	vld [tilespmem:s25+$0x8050]  }
0xad: {  	v8 =	vmax.f32 v8, v15;
	v12 =	vld [tilespmem:s25+$0x8060];
	s25 =	sshra.s32 s26, $0x2;
	s26 =	sadd.s32 $0x200, s26  }
0xae: {  	v13 =	vld [tilespmem:s25+$0x8070]  }
0xaf: {  	v14 =	vld [tilespmem:s25+$0x8000]  }
0xb0: {  	v15 =	vld [tilespmem:s25+$0x8010]  }
0xb1: {  	v16 =	vld [tilespmem:s25+$0x8020]  }
0xb2: {  	v17 =	vld [tilespmem:s25+$0x8030]  }
0xb3: {  	v18 =	vld [tilespmem:s25+$0x8040]  }
0xb4: {  	v19 =	vld [tilespmem:s25+$0x8050];
	v10 =	vmax.f32 v10, v14  }
0xb5: {  	v1 =	vmax.f32 v1, v11;
	v14 =	vld [tilespmem:s25+$0x8060];
	v8 =	vmax.f32 v8, v15;
	[tilespmem:$0x1EB00] =	vst v10  }
0xb6: {  	v4 =	vmax.f32 v4, v9;
	v1 =	vmax.f32 v1, v16;
	[tilespmem:$0x1EB10] =	vst v8  }
0xb7: {  	v4 =	vmax.f32 v4, v17;
	[tilespmem:$0x1EB20] =	vst v1  }
0xb8: {  	v5 =	vmax.f32 v6, v5;
	v0 =	vmax.f32 v0, v13;
	[tilespmem:$0x1EB30] =	vst v4  }
0xb9: {  	v1 =	vmax.f32 v3, v7;
	v3 =	vmax.f32 v5, v18;
	[tilespmem:$0x1EB70] =	vst v0  }
0xba: {  	v2 =	vmax.f32 v2, v12;
	v1 =	vmax.f32 v1, v19;
	[tilespmem:$0x1EB40] =	vst v3  }
0xbb: {  	[tilespmem:$0x1EB50] =	vst v1;
	v2 =	vmax.f32 v2, v14  }
0xbc: {  	[tilespmem:$0x1EB60] =	vst v2  }
0xbd: {  	_ =	swait.ge [sflag:s21], $0x3200  }
0xbe: {  	[sflag:s21] =	ssyncset.done $0x0  }
0xbf: {  	[sflag:s21] =	ssyncadd.s32 $0xFFFFCE00  }
0xc0: {  	_ =	swait.ge [sflag:s21], $0x3200  }
0xc1: {  	[sflag:s21] =	ssyncset.done $0x0  }
0xc2: {  	s28 =	simm.s32 $0x0;
	[sflag:s21] =	ssyncadd.s32 $0xFFFFCE00  }
0xc3: {  	v0 =	vld [tilespmem:s28+$0xE470]  }
0xc4: {  	v2 =	vld [tilespmem:s28+$0xE400]  }
0xc5: {  	v3 =	vld [tilespmem:s28+$0xE410]  }
0xc6: {  	v11 =	vld [tilespmem:s28+$0xE420]  }
0xc7: {  	v9 =	vld [tilespmem:s28+$0xE430]  }
0xc8: {  	v6 =	vimm.f32 $-Inf;
	v1 =	vimm.f32 $-Inf;
	v5 =	vld [tilespmem:s28+$0xE440]  }
0xc9: {  	v4 =	vimm.f32 $-Inf;
	v7 =	vld [tilespmem:s28+$0xE450];
	v0 =	vmax.f32 v1, v0;
	v10 =	vmax.f32 v1, v2  }
0xca: {  	s26 =	simm.s32 $0x400;
	s25 =	simm.s32 $0x80;
	v12 =	vld [tilespmem:s28+$0xE460];
	v8 =	vmax.f32 v1, v3;
	v3 =	vimm.f32 $-Inf;
	v2 =	vimm.f32 $-Inf  }
.LBB2_12:
0xcb: {  	p0 =	sne.s32 s26, $0x18E00;
	v13 =	vld [tilespmem:s25+$0xE470];
	v1 =	vmax.f32 v1, v11  }
0xcc: {  	v14 =	vld [tilespmem:s25+$0xE400];
	v4 =	vmax.f32 v4, v9  }
0xcd: {  	v15 =	vld [tilespmem:s25+$0xE410];
	v6 =	vmax.f32 v6, v5  }
.Ltmp5:
0xce: {  	v11 =	vld [tilespmem:s25+$0xE420];
	v3 =	vmax.f32 v3, v7;
	(pc) =	sbr.rel @p0 .LBB2_12-.Ltmp5, $4  }
0xcf: {  	v9 =	vld [tilespmem:s25+$0xE430];
	v2 =	vmax.f32 v2, v12  }
0xd0: {  	v5 =	vld [tilespmem:s25+$0xE440];
	v0 =	vmax.f32 v0, v13  }
0xd1: {  	v10 =	vmax.f32 v10, v14;
	v7 =	vld [tilespmem:s25+$0xE450]  }
0xd2: {  	v8 =	vmax.f32 v8, v15;
	v12 =	vld [tilespmem:s25+$0xE460];
	s25 =	sshra.s32 s26, $0x2;
	s26 =	sadd.s32 $0x200, s26  }
0xd3: {  	v13 =	vld [tilespmem:s25+$0xE470]  }
0xd4: {  	v14 =	vld [tilespmem:s25+$0xE400]  }
0xd5: {  	v15 =	vld [tilespmem:s25+$0xE410]  }
0xd6: {  	v16 =	vld [tilespmem:s25+$0xE420]  }
0xd7: {  	v17 =	vld [tilespmem:s25+$0xE430]  }
0xd8: {  	v18 =	vld [tilespmem:s25+$0xE440]  }
0xd9: {  	v61 =	vld [tilespmem:s25+$0xE460];
	v10 =	vmax.f32 v10, v14  }
0xda: {  	v19 =	vld [tilespmem:s25+$0xE450];
	v1 =	vmax.f32 v1, v11;
	v8 =	vmax.f32 v8, v15;
	[tilespmem:$0x1EB80] =	vst v10  }
0xdb: {  	v4 =	vmax.f32 v4, v9;
	v1 =	vmax.f32 v1, v16;
	[tilespmem:$0x1EB90] =	vst v8  }
0xdc: {  	v5 =	vmax.f32 v6, v5;
	v4 =	vmax.f32 v4, v17;
	[tilespmem:$0x1EBA0] =	vst v1  }
0xdd: {  	v2 =	vmax.f32 v2, v12;
	v63 =	vmax.f32 v5, v18;
	[tilespmem:$0x1EBB0] =	vst v4  }
0xde: {  	v2 =	vmax.f32 v2, v61;
	[tilespmem:$0x1EBC0] =	vst v63  }
0xdf: {  	v62 =	vmax.f32 v3, v7;
	v0 =	vmax.f32 v0, v13;
	[tilespmem:$0x1EBE0] =	vst v2  }
0xe0: {  	v1 =	vmax.f32 v62, v19;
	[tilespmem:$0x1EBF0] =	vst v0  }
0xe1: {  	[tilespmem:$0x1EBD0] =	vst v1  }
0xe2: {  	_ =	swait.ge [sflag:s22], $0x3200  }
0xe3: {  	[sflag:s22] =	ssyncset.done $0x0  }
0xe4: {  	[sflag:s22] =	ssyncadd.s32 $0xFFFFCE00  }
0xe5: {  	s24 =	sadd.s32 $0x1, s24;
	_ =	swait.ge [sflag:s22], $0x3200  }
0xe6: {  	p0 =	sne.s32 s24, s6;
	[sflag:s22] =	ssyncset.done $0x0  }
.Ltmp6:
0xe7: {  	[sflag:s22] =	ssyncadd.s32 $0xFFFFCE00;
	(pc) =	sbr.rel @p0 .LBB2_1-.Ltmp6, $4  }
0xe8: {  	[hbm4b:s5+s3] =	stream.linear.scatter [tilespmem:s23], [sflag:$0x4], $0x4000, $0x38;
	[tilespmem:$0x1EC00] =	vst v63  }
0xe9: {  	_ =	swait.ge [sflag:s7], $0x4000  }
0xea: {  	[sflag:s7] =	ssyncset.done $0x0  }
0xeb: {  	[sflag:s7] =	ssyncadd.s32 $0xFFFFC000  }
0xec: {  	_ =	sfence.sel $0x180000  }
0xed: {  	[bflag:$0x0] =	sbarrier.arrive $0xFFFF  }
0xee: {  	p0 =	sne.s32 s1, $0x0;
	_ =	strace $0x90000047  }
0xef: {  	s0 =	sadd.s32 @!p0 $0x100000, s0;
	[bflag:$0x2] =	sbarrier.arrive $0xFFFF  }
0xf0: {  	[sflag:s0] =	ssyncadd.tile.s32 @!p0 $0x1;
	_ =	shalt  }
.Lfunc_end2:
_tile_overlayer_lowered:
.L_overlay_start_2:
0xf1: {  	(tag) =	ssettag $0x2  }
0xf2: {  	s0 =	rddreg [dreg:$0x0];
	s2 =	stileid.u32  }
0xf3: {  	s1 =	rddreg [dreg:$0x1];
	p0 =	sne.s32 s2, $0x0  }
0xf4: {  	s3 =	rddreg [dreg:$0x2];
	[bflag:$0x3] =	sbarrier.arrive $0xFFFF;
	s2 =	simm.s32 @!p0 $0x1C04  }
0xf5: {  	[timem:s3], [sflag:s2] =	dma.local @!p0 [hbm:s0], s1  }
0xf6: {  	s0 =	simm.s32 @!p0 $0x4  }
0xf7: {  	_ =	swait.ge @!p0 [sflag:s0], s1  }
0xf8: {  	s1 =	ssub.s32 @!p0 $0x0, s1;
	[sflag:s0] =	ssyncset.done @!p0 $0x0  }
0xf9: {  	[sflag:s0] =	ssyncadd.s32 @!p0 s1  }
0xfa: {  	[bflag:$0x3] =	sbarrier.arrive $0xFFFF  }
0xfb: {  	_ =	shalt  }

</sc_bundles>
